<compile_context>
chip_gen: v7x
topology: tpu7x:2x2x1
jax: 0.10.2.dev20260603
libtpu: 0.0.44.dev20260713+nightly
codegen_flags: <defaults>
</compile_context>

<pallas_src>
import functools

import jax
import jax.numpy as jnp
from jax import lax
from jax.experimental import pallas as pl
from jax.experimental.pallas import tpu as pltpu
from jax.experimental.pallas import tpu_sc as plsc

B = 1024
L = 200
E = 128
Y = 50

NC = 2
NS = 16
NW = NC * NS
BPW = B // NW
NLANE = 16
EV = E // NLANE
NBUF = 4

_mesh = plsc.VectorSubcoreMesh(core_axis_name="c", subcore_axis_name="s")


@functools.partial(
    pl.kernel,
    mesh=_mesh,
    out_type=jax.ShapeDtypeStruct((B, E), jnp.float32),
    scratch_types=[
        pltpu.VMEM((BPW * L,), jnp.int32),
        pltpu.VMEM((NBUF, L, E), jnp.float32),
        pltpu.VMEM((BPW, E), jnp.float32),
    ] + [pltpu.SemaphoreType.DMA] * NBUF,
)
def _pool_sc(x_hbm, w_hbm, out_hbm, idx_v, bufs, pooled_v, *sems):
    wid = lax.axis_index("s") * NC + lax.axis_index("c")
    base = wid * BPW

    pltpu.sync_copy(x_hbm.at[pl.ds(base * L, BPW * L)], idx_v)

    def issue(r, b, sem):
        pltpu.async_copy(
            w_hbm.at[idx_v.at[pl.ds(r * L, 104)]],
            bufs.at[b, pl.ds(0, 104)], sem)
        pltpu.async_copy(
            w_hbm.at[idx_v.at[pl.ds(r * L + 104, L - 104)]],
            bufs.at[b, pl.ds(104, L - 104)], sem)

    def consume(r, b, sem):
        pltpu.make_async_copy(w_hbm.at[pl.ds(0, L)], bufs.at[b], sem).wait()

        def acc_body(j, accs):
            out = []
            for e, a in enumerate(accs):
                sl = pl.ds(e * NLANE, NLANE)
                s01 = bufs[b, 4 * j, sl] + bufs[b, 4 * j + 1, sl]
                s23 = bufs[b, 4 * j + 2, sl] + bufs[b, 4 * j + 3, sl]
                out.append(a + (s01 + s23))
            return tuple(out)

        accs = lax.fori_loop(
            0, L // 4, acc_body,
            tuple(jnp.zeros((NLANE,), jnp.float32) for _ in range(EV)))
        for e in range(EV):
            pooled_v[r, pl.ds(e * NLANE, NLANE)] = accs[e]

    for b in range(NBUF - 1):
        issue(b, b, sems[b])

    def grp_body(g, carry):
        for b in range(NBUF):
            r = g * NBUF + b
            nxt = r + NBUF - 1
            nb = (b + NBUF - 1) % NBUF

            @pl.when(nxt < BPW)
            def _():
                issue(nxt, nb, sems[nb])

            consume(r, b, sems[b])
        return carry

    lax.fori_loop(0, BPW // NBUF, grp_body, 0)
    pltpu.sync_copy(pooled_v, out_hbm.at[pl.ds(base, BPW)])


def _dense_tc(p_ref, w_ref, b_ref, o_ref):
    o_ref[...] = lax.dot_general(
        p_ref[...], w_ref[...], (((1,), (1,)), ((), ())),
        preferred_element_type=jnp.float32) + b_ref[...]


def kernel(x, W, fc_w, fc_b):
    xf = x.reshape(B * L).astype(jnp.int32)
    pooled = _pool_sc(xf, W)
    out = pl.pallas_call(
        _dense_tc,
        out_shape=jax.ShapeDtypeStruct((B, Y), jnp.float32),
    )(pooled, fc_w, fc_b.reshape(1, Y))
    return out

# --- scband reference (transcript-rebuilt; emitter-appended) ---
"""Pipeline reference for scband-log-reg-3100966387921 (READ-ONLY COPY).

The authoritative reference and input builder live on the scoring server;
editing this copy changes nothing except your own understanding.
"""

import jax, jax.numpy as jnp
import numpy as np

VOCAB_SIZE = 100000
EMBEDDING_SIZE = 128
Y = 50
B = 1024
L = 200


def setup_inputs(seed: int = 0) -> dict:
    key = jax.random.key(seed)
    k1, k2, k3, k4 = jax.random.split(key, 4)
    x = jax.random.randint(k1, (B, L, 1), 0, VOCAB_SIZE)
    # Embedding table, row-normalized to unit L2 norm as in __init__
    W = jax.random.normal(k2, (VOCAB_SIZE, EMBEDDING_SIZE), dtype=jnp.float32)
    norms = jnp.sqrt(jnp.sum(W * W, axis=1, keepdims=True))
    W = W / norms
    # Linear layer params (fan_in init like nn.Linear)
    bound = 1.0 / np.sqrt(EMBEDDING_SIZE)
    fc_w = jax.random.uniform(k3, (Y, EMBEDDING_SIZE), dtype=jnp.float32, minval=-bound, maxval=bound)
    fc_b = jax.random.uniform(k4, (Y,), dtype=jnp.float32, minval=-bound, maxval=bound)
    return {"x": x, "W": W, "fc_w": fc_w, "fc_b": fc_b}


def reference(x, W, fc_w, fc_b):
    # x: int[B, L, 1]
    e = jnp.take(W, x, axis=0)          # [B, L, 1, E]  (embedding lookup)
    # dropout is identity in eval mode
    s = jnp.sum(e, axis=1)              # [B, 1, E]
    t = jnp.transpose(s, (0, 2, 1))     # [B, E, 1]
    sq = jnp.squeeze(t, axis=2)         # [B, E]
    out = sq @ fc_w.T + fc_b            # [B, Y]
    return out

if __name__ == "__main__":
    import jax
    _d = setup_inputs()
    print(jax.jit(kernel)(*tuple(_d.values())))

</pallas_src>

<mosaic_0001>
#map = affine_map<(d0, d1) -> (0)>
#map1 = affine_map<(d0, d1) -> (0, 0)>
module attributes {stable_mosaic.version = 14 : i64} {
  func.func @_pool_sc(%arg0: i32, %arg1: i32, %arg2: memref<204800xi32, #tpu.memory_space<hbm>>, %arg3: memref<100000x128xf32, #tpu.memory_space<hbm>>, %arg4: memref<1024x128xf32, #tpu.memory_space<hbm>>, %arg5: memref<6400xi32, #tpu.memory_space<vmem>>, %arg6: memref<4x200x128xf32, #tpu.memory_space<vmem>>, %arg7: memref<32x128xf32, #tpu.memory_space<vmem>>, %arg8: memref<!tpu.dma_semaphore, #tpu.memory_space<semaphore_mem>>, %arg9: memref<!tpu.dma_semaphore, #tpu.memory_space<semaphore_mem>>, %arg10: memref<!tpu.dma_semaphore, #tpu.memory_space<semaphore_mem>>, %arg11: memref<!tpu.dma_semaphore, #tpu.memory_space<semaphore_mem>>) attributes {dimension_semantics = [#tpu.dimension_semantics<core_parallel>, #tpu.dimension_semantics<subcore_parallel>], iteration_bounds = array<i64: 2, 16>, scalar_prefetch = 0 : i64, scratch_operands = 7 : i64, tpu.core_type = #tpu.core_type<sc_vector_subcore>, window_params = [{transform_indices = #map}, {transform_indices = #map1}, {transform_indices = #map1}]} {
    %mul3A = arith.constant 2 : i32
    %mul3A_0 = arith.muli %arg1, %mul3A : i32
    %add3A = arith.addi %mul3A_0, %arg0 : i32
    %mul3A_1 = arith.constant 32 : i32
    %mul3A_2 = arith.muli %add3A, %mul3A_1 : i32
    %mul3A_3 = arith.constant 200 : i32
    %mul3A_4 = arith.muli %mul3A_2, %mul3A_3 : i32
    "tpu.region"() ({
      %run_scoped3A = tpu.sem_alloc : memref<!tpu.dma_semaphore, #tpu.memory_space<semaphore_mem>>
      %dma_start3A_69 = tpu.memref_slice %arg2[%mul3A_4] : memref<204800xi32, #tpu.memory_space<hbm>> -> memref<6400xi32, #tpu.memory_space<hbm>>
      %dma_start3A_70 = tpu.memref_slice %arg2[%mul3A_4] : memref<204800xi32, #tpu.memory_space<hbm>> -> memref<6400xi32, #tpu.memory_space<hbm>>
      tpu.enqueue_dma source(%dma_start3A_70 : memref<6400xi32, #tpu.memory_space<hbm>>) target(%arg5 : memref<6400xi32, #tpu.memory_space<vmem>>) target_semaphore(%run_scoped3A : memref<!tpu.dma_semaphore, #tpu.memory_space<semaphore_mem>>)
      %dma_wait3A = tpu.memref_slice %arg2[%mul3A_4] : memref<204800xi32, #tpu.memory_space<hbm>> -> memref<6400xi32, #tpu.memory_space<hbm>>
      %dma_wait3A_71 = tpu.memref_slice %arg2[%mul3A_4] : memref<204800xi32, #tpu.memory_space<hbm>> -> memref<6400xi32, #tpu.memory_space<hbm>>
      tpu.wait_dma2 semaphore(%run_scoped3A : memref<!tpu.dma_semaphore, #tpu.memory_space<semaphore_mem>>) src(%dma_wait3A_71 : memref<6400xi32, #tpu.memory_space<hbm>>) dst(%arg5 : memref<6400xi32, #tpu.memory_space<vmem>>)
      tpu.yield
    }) : () -> ()
    %dma_start3A = arith.constant 0 : i32
    %dma_start3A_5 = arith.constant 0 : i32
    %dma_start3A_6 = arith.constant 0 : i32
    %dma_start3A_7 = tpu.memref_slice %arg6[%dma_start3A, %dma_start3A_5, %dma_start3A_6] : memref<4x200x128xf32, #tpu.memory_space<vmem>> -> memref<1x104x128xf32, #tpu.memory_space<vmem>>
    %dma_start3A_8 = tpu.memref_squeeze %dma_start3A_7 : memref<1x104x128xf32, #tpu.memory_space<vmem>> -> memref<104x128xf32, #tpu.memory_space<vmem>>
    %dma_start3A_9 = arith.constant 0 : i32
    %dma_start3A_10 = tpu.memref_slice %arg5[%dma_start3A_9] : memref<6400xi32, #tpu.memory_space<vmem>> -> memref<104xi32, #tpu.memory_space<vmem>>
    %dma_start3A_11 = arith.constant 0 : i32
    %dma_start3A_12 = arith.constant 0 : i32
    %dma_start3A_13 = tpu.memref_slice %arg3[%dma_start3A_11, %dma_start3A_12] : memref<100000x128xf32, #tpu.memory_space<hbm>> -> memref<100000x128xf32, #tpu.memory_space<hbm>>
    tpu.enqueue_indirect_dma source(%dma_start3A_13 : memref<100000x128xf32, #tpu.memory_space<hbm>>) target(%dma_start3A_8 : memref<104x128xf32, #tpu.memory_space<vmem>>) offsets(%dma_start3A_10 : memref<104xi32, #tpu.memory_space<vmem>>) semaphore(%arg8 : memref<!tpu.dma_semaphore, #tpu.memory_space<semaphore_mem>>)
    %dma_start3A_14 = arith.constant 0 : i32
    %dma_start3A_15 = arith.constant 104 : i32
    %dma_start3A_16 = arith.constant 0 : i32
    %dma_start3A_17 = tpu.memref_slice %arg6[%dma_start3A_14, %dma_start3A_15, %dma_start3A_16] : memref<4x200x128xf32, #tpu.memory_space<vmem>> -> memref<1x96x128xf32, #tpu.memory_space<vmem>>
    %dma_start3A_18 = tpu.memref_squeeze %dma_start3A_17 : memref<1x96x128xf32, #tpu.memory_space<vmem>> -> memref<96x128xf32, #tpu.memory_space<vmem>>
    %dma_start3A_19 = arith.constant 104 : i32
    %dma_start3A_20 = tpu.memref_slice %arg5[%dma_start3A_19] : memref<6400xi32, #tpu.memory_space<vmem>> -> memref<96xi32, #tpu.memory_space<vmem>>
    %dma_start3A_21 = arith.constant 0 : i32
    %dma_start3A_22 = arith.constant 0 : i32
    %dma_start3A_23 = tpu.memref_slice %arg3[%dma_start3A_21, %dma_start3A_22] : memref<100000x128xf32, #tpu.memory_space<hbm>> -> memref<100000x128xf32, #tpu.memory_space<hbm>>
    tpu.enqueue_indirect_dma source(%dma_start3A_23 : memref<100000x128xf32, #tpu.memory_space<hbm>>) target(%dma_start3A_18 : memref<96x128xf32, #tpu.memory_space<vmem>>) offsets(%dma_start3A_20 : memref<96xi32, #tpu.memory_space<vmem>>) semaphore(%arg8 : memref<!tpu.dma_semaphore, #tpu.memory_space<semaphore_mem>>)
    %dma_start3A_24 = arith.constant 1 : i32
    %dma_start3A_25 = arith.constant 0 : i32
    %dma_start3A_26 = arith.constant 0 : i32
    %dma_start3A_27 = tpu.memref_slice %arg6[%dma_start3A_24, %dma_start3A_25, %dma_start3A_26] : memref<4x200x128xf32, #tpu.memory_space<vmem>> -> memref<1x104x128xf32, #tpu.memory_space<vmem>>
    %dma_start3A_28 = tpu.memref_squeeze %dma_start3A_27 : memref<1x104x128xf32, #tpu.memory_space<vmem>> -> memref<104x128xf32, #tpu.memory_space<vmem>>
    %dma_start3A_29 = arith.constant 200 : i32
    %dma_start3A_30 = tpu.memref_slice %arg5[%dma_start3A_29] : memref<6400xi32, #tpu.memory_space<vmem>> -> memref<104xi32, #tpu.memory_space<vmem>>
    %dma_start3A_31 = arith.constant 0 : i32
    %dma_start3A_32 = arith.constant 0 : i32
    %dma_start3A_33 = tpu.memref_slice %arg3[%dma_start3A_31, %dma_start3A_32] : memref<100000x128xf32, #tpu.memory_space<hbm>> -> memref<100000x128xf32, #tpu.memory_space<hbm>>
    tpu.enqueue_indirect_dma source(%dma_start3A_33 : memref<100000x128xf32, #tpu.memory_space<hbm>>) target(%dma_start3A_28 : memref<104x128xf32, #tpu.memory_space<vmem>>) offsets(%dma_start3A_30 : memref<104xi32, #tpu.memory_space<vmem>>) semaphore(%arg9 : memref<!tpu.dma_semaphore, #tpu.memory_space<semaphore_mem>>)
    %dma_start3A_34 = arith.constant 1 : i32
    %dma_start3A_35 = arith.constant 104 : i32
    %dma_start3A_36 = arith.constant 0 : i32
    %dma_start3A_37 = tpu.memref_slice %arg6[%dma_start3A_34, %dma_start3A_35, %dma_start3A_36] : memref<4x200x128xf32, #tpu.memory_space<vmem>> -> memref<1x96x128xf32, #tpu.memory_space<vmem>>
    %dma_start3A_38 = tpu.memref_squeeze %dma_start3A_37 : memref<1x96x128xf32, #tpu.memory_space<vmem>> -> memref<96x128xf32, #tpu.memory_space<vmem>>
    %dma_start3A_39 = arith.constant 304 : i32
    %dma_start3A_40 = tpu.memref_slice %arg5[%dma_start3A_39] : memref<6400xi32, #tpu.memory_space<vmem>> -> memref<96xi32, #tpu.memory_space<vmem>>
    %dma_start3A_41 = arith.constant 0 : i32
    %dma_start3A_42 = arith.constant 0 : i32
    %dma_start3A_43 = tpu.memref_slice %arg3[%dma_start3A_41, %dma_start3A_42] : memref<100000x128xf32, #tpu.memory_space<hbm>> -> memref<100000x128xf32, #tpu.memory_space<hbm>>
    tpu.enqueue_indirect_dma source(%dma_start3A_43 : memref<100000x128xf32, #tpu.memory_space<hbm>>) target(%dma_start3A_38 : memref<96x128xf32, #tpu.memory_space<vmem>>) offsets(%dma_start3A_40 : memref<96xi32, #tpu.memory_space<vmem>>) semaphore(%arg9 : memref<!tpu.dma_semaphore, #tpu.memory_space<semaphore_mem>>)
    %dma_start3A_44 = arith.constant 2 : i32
    %dma_start3A_45 = arith.constant 0 : i32
    %dma_start3A_46 = arith.constant 0 : i32
    %dma_start3A_47 = tpu.memref_slice %arg6[%dma_start3A_44, %dma_start3A_45, %dma_start3A_46] : memref<4x200x128xf32, #tpu.memory_space<vmem>> -> memref<1x104x128xf32, #tpu.memory_space<vmem>>
    %dma_start3A_48 = tpu.memref_squeeze %dma_start3A_47 : memref<1x104x128xf32, #tpu.memory_space<vmem>> -> memref<104x128xf32, #tpu.memory_space<vmem>>
    %dma_start3A_49 = arith.constant 400 : i32
    %dma_start3A_50 = tpu.memref_slice %arg5[%dma_start3A_49] : memref<6400xi32, #tpu.memory_space<vmem>> -> memref<104xi32, #tpu.memory_space<vmem>>
    %dma_start3A_51 = arith.constant 0 : i32
    %dma_start3A_52 = arith.constant 0 : i32
    %dma_start3A_53 = tpu.memref_slice %arg3[%dma_start3A_51, %dma_start3A_52] : memref<100000x128xf32, #tpu.memory_space<hbm>> -> memref<100000x128xf32, #tpu.memory_space<hbm>>
    tpu.enqueue_indirect_dma source(%dma_start3A_53 : memref<100000x128xf32, #tpu.memory_space<hbm>>) target(%dma_start3A_48 : memref<104x128xf32, #tpu.memory_space<vmem>>) offsets(%dma_start3A_50 : memref<104xi32, #tpu.memory_space<vmem>>) semaphore(%arg10 : memref<!tpu.dma_semaphore, #tpu.memory_space<semaphore_mem>>)
    %dma_start3A_54 = arith.constant 2 : i32
    %dma_start3A_55 = arith.constant 104 : i32
    %dma_start3A_56 = arith.constant 0 : i32
    %dma_start3A_57 = tpu.memref_slice %arg6[%dma_start3A_54, %dma_start3A_55, %dma_start3A_56] : memref<4x200x128xf32, #tpu.memory_space<vmem>> -> memref<1x96x128xf32, #tpu.memory_space<vmem>>
    %dma_start3A_58 = tpu.memref_squeeze %dma_start3A_57 : memref<1x96x128xf32, #tpu.memory_space<vmem>> -> memref<96x128xf32, #tpu.memory_space<vmem>>
    %dma_start3A_59 = arith.constant 504 : i32
    %dma_start3A_60 = tpu.memref_slice %arg5[%dma_start3A_59] : memref<6400xi32, #tpu.memory_space<vmem>> -> memref<96xi32, #tpu.memory_space<vmem>>
    %dma_start3A_61 = arith.constant 0 : i32
    %dma_start3A_62 = arith.constant 0 : i32
    %dma_start3A_63 = tpu.memref_slice %arg3[%dma_start3A_61, %dma_start3A_62] : memref<100000x128xf32, #tpu.memory_space<hbm>> -> memref<100000x128xf32, #tpu.memory_space<hbm>>
    tpu.enqueue_indirect_dma source(%dma_start3A_63 : memref<100000x128xf32, #tpu.memory_space<hbm>>) target(%dma_start3A_58 : memref<96x128xf32, #tpu.memory_space<vmem>>) offsets(%dma_start3A_60 : memref<96xi32, #tpu.memory_space<vmem>>) semaphore(%arg10 : memref<!tpu.dma_semaphore, #tpu.memory_space<semaphore_mem>>)
    %scan3A = arith.constant 0 : i32
    %scan3A_64 = arith.constant 0 : i32
    %scan3A_65 = arith.constant 8 : i32
    %scan3A_66 = arith.addi %scan3A_64, %scan3A_65 : i32
    %scan3A_67 = arith.constant 1 : i32
    scf.for %scan3A_69 = %scan3A_64 to %scan3A_66 step %scan3A_67  : i32 {
      %mul3A_70 = arith.constant 4 : i32
      %mul3A_71 = arith.muli %scan3A_69, %mul3A_70 : i32
      %add3A_72 = arith.constant 0 : i32
      %add3A_73 = arith.addi %mul3A_71, %add3A_72 : i32
      %add3A_74 = arith.constant 4 : i32
      %add3A_75 = arith.addi %add3A_73, %add3A_74 : i32
      %sub3A = arith.constant 1 : i32
      %sub3A_76 = arith.subi %add3A_75, %sub3A : i32
      %lt3A = arith.constant 32 : i32
      %lt3A_77 = arith.cmpi slt, %sub3A_76, %lt3A : i32
      %convert_element_type3A = arith.extui %lt3A_77 : i1 to i32
      %cond3A = arith.constant 0 : i32
      %cond3A_78 = arith.cmpi ne, %convert_element_type3A, %cond3A : i32
      scf.if %cond3A_78 {
        %mul3A_423 = arith.constant 200 : i32
        %mul3A_424 = arith.muli %sub3A_76, %mul3A_423 : i32
        %dma_start3A_425 = arith.constant 3 : i32
        %dma_start3A_426 = arith.constant 0 : i32
        %dma_start3A_427 = arith.constant 0 : i32
        %dma_start3A_428 = tpu.memref_slice %arg6[%dma_start3A_425, %dma_start3A_426, %dma_start3A_427] : memref<4x200x128xf32, #tpu.memory_space<vmem>> -> memref<1x104x128xf32, #tpu.memory_space<vmem>>
        %dma_start3A_429 = tpu.memref_squeeze %dma_start3A_428 : memref<1x104x128xf32, #tpu.memory_space<vmem>> -> memref<104x128xf32, #tpu.memory_space<vmem>>
        %dma_start3A_430 = tpu.memref_slice %arg5[%mul3A_424] : memref<6400xi32, #tpu.memory_space<vmem>> -> memref<104xi32, #tpu.memory_space<vmem>>
        %dma_start3A_431 = arith.constant 0 : i32
        %dma_start3A_432 = arith.constant 0 : i32
        %dma_start3A_433 = tpu.memref_slice %arg3[%dma_start3A_431, %dma_start3A_432] : memref<100000x128xf32, #tpu.memory_space<hbm>> -> memref<100000x128xf32, #tpu.memory_space<hbm>>
        tpu.enqueue_indirect_dma source(%dma_start3A_433 : memref<100000x128xf32, #tpu.memory_space<hbm>>) target(%dma_start3A_429 : memref<104x128xf32, #tpu.memory_space<vmem>>) offsets(%dma_start3A_430 : memref<104xi32, #tpu.memory_space<vmem>>) semaphore(%arg11 : memref<!tpu.dma_semaphore, #tpu.memory_space<semaphore_mem>>)
        %mul3A_434 = arith.constant 200 : i32
        %mul3A_435 = arith.muli %sub3A_76, %mul3A_434 : i32
        %add3A_436 = arith.constant 104 : i32
        %add3A_437 = arith.addi %mul3A_435, %add3A_436 : i32
        %dma_start3A_438 = arith.constant 3 : i32
        %dma_start3A_439 = arith.constant 104 : i32
        %dma_start3A_440 = arith.constant 0 : i32
        %dma_start3A_441 = tpu.memref_slice %arg6[%dma_start3A_438, %dma_start3A_439, %dma_start3A_440] : memref<4x200x128xf32, #tpu.memory_space<vmem>> -> memref<1x96x128xf32, #tpu.memory_space<vmem>>
        %dma_start3A_442 = tpu.memref_squeeze %dma_start3A_441 : memref<1x96x128xf32, #tpu.memory_space<vmem>> -> memref<96x128xf32, #tpu.memory_space<vmem>>
        %dma_start3A_443 = tpu.memref_slice %arg5[%add3A_437] : memref<6400xi32, #tpu.memory_space<vmem>> -> memref<96xi32, #tpu.memory_space<vmem>>
        %dma_start3A_444 = arith.constant 0 : i32
        %dma_start3A_445 = arith.constant 0 : i32
        %dma_start3A_446 = tpu.memref_slice %arg3[%dma_start3A_444, %dma_start3A_445] : memref<100000x128xf32, #tpu.memory_space<hbm>> -> memref<100000x128xf32, #tpu.memory_space<hbm>>
        tpu.enqueue_indirect_dma source(%dma_start3A_446 : memref<100000x128xf32, #tpu.memory_space<hbm>>) target(%dma_start3A_442 : memref<96x128xf32, #tpu.memory_space<vmem>>) offsets(%dma_start3A_443 : memref<96xi32, #tpu.memory_space<vmem>>) semaphore(%arg11 : memref<!tpu.dma_semaphore, #tpu.memory_space<semaphore_mem>>)
      } else {
      }
      %dma_wait3A = arith.constant 0 : i32
      %dma_wait3A_79 = arith.constant 0 : i32
      %dma_wait3A_80 = arith.constant 0 : i32
      %dma_wait3A_81 = tpu.memref_slice %arg6[%dma_wait3A, %dma_wait3A_79, %dma_wait3A_80] : memref<4x200x128xf32, #tpu.memory_space<vmem>> -> memref<1x200x128xf32, #tpu.memory_space<vmem>>
      %dma_wait3A_82 = tpu.memref_squeeze %dma_wait3A_81 : memref<1x200x128xf32, #tpu.memory_space<vmem>> -> memref<200x128xf32, #tpu.memory_space<vmem>>
      %dma_wait3A_83 = arith.constant 0 : i32
      %dma_wait3A_84 = arith.constant 0 : i32
      %dma_wait3A_85 = tpu.memref_slice %arg3[%dma_wait3A_83, %dma_wait3A_84] : memref<100000x128xf32, #tpu.memory_space<hbm>> -> memref<200x128xf32, #tpu.memory_space<hbm>>
      %dma_wait3A_86 = arith.constant 0 : i32
      %dma_wait3A_87 = arith.constant 0 : i32
      %dma_wait3A_88 = tpu.memref_slice %arg6[%dma_wait3A, %dma_wait3A_86, %dma_wait3A_87] : memref<4x200x128xf32, #tpu.memory_space<vmem>> -> memref<1x200x128xf32, #tpu.memory_space<vmem>>
      %dma_wait3A_89 = tpu.memref_squeeze %dma_wait3A_88 : memref<1x200x128xf32, #tpu.memory_space<vmem>> -> memref<200x128xf32, #tpu.memory_space<vmem>>
      %dma_wait3A_90 = arith.constant 0 : i32
      %dma_wait3A_91 = arith.constant 0 : i32
      %dma_wait3A_92 = tpu.memref_slice %arg3[%dma_wait3A_90, %dma_wait3A_91] : memref<100000x128xf32, #tpu.memory_space<hbm>> -> memref<200x128xf32, #tpu.memory_space<hbm>>
      tpu.wait_dma2 semaphore(%arg8 : memref<!tpu.dma_semaphore, #tpu.memory_space<semaphore_mem>>) src(%dma_wait3A_92 : memref<200x128xf32, #tpu.memory_space<hbm>>) dst(%dma_wait3A_89 : memref<200x128xf32, #tpu.memory_space<vmem>>)
      %broadcast_in_dim3A = arith.constant 0.000000e+00 : f32
      %broadcast_in_dim3A_93 = vector.broadcast %broadcast_in_dim3A : f32 to vector<16xf32>
      %broadcast_in_dim3A_94 = arith.constant 0.000000e+00 : f32
      %broadcast_in_dim3A_95 = vector.broadcast %broadcast_in_dim3A_94 : f32 to vector<16xf32>
      %broadcast_in_dim3A_96 = arith.constant 0.000000e+00 : f32
      %broadcast_in_dim3A_97 = vector.broadcast %broadcast_in_dim3A_96 : f32 to vector<16xf32>
      %broadcast_in_dim3A_98 = arith.constant 0.000000e+00 : f32
      %broadcast_in_dim3A_99 = vector.broadcast %broadcast_in_dim3A_98 : f32 to vector<16xf32>
      %broadcast_in_dim3A_100 = arith.constant 0.000000e+00 : f32
      %broadcast_in_dim3A_101 = vector.broadcast %broadcast_in_dim3A_100 : f32 to vector<16xf32>
      %broadcast_in_dim3A_102 = arith.constant 0.000000e+00 : f32
      %broadcast_in_dim3A_103 = vector.broadcast %broadcast_in_dim3A_102 : f32 to vector<16xf32>
      %broadcast_in_dim3A_104 = arith.constant 0.000000e+00 : f32
      %broadcast_in_dim3A_105 = vector.broadcast %broadcast_in_dim3A_104 : f32 to vector<16xf32>
      %broadcast_in_dim3A_106 = arith.constant 0.000000e+00 : f32
      %broadcast_in_dim3A_107 = vector.broadcast %broadcast_in_dim3A_106 : f32 to vector<16xf32>
      %scan3A_108 = arith.constant 0 : i32
      %scan3A_109 = arith.constant 50 : i32
      %scan3A_110 = arith.addi %scan3A_108, %scan3A_109 : i32
      %scan3A_111 = arith.constant 1 : i32
      %scan3A_112:8 = scf.for %scan3A_423 = %scan3A_108 to %scan3A_110 step %scan3A_111 iter_args(%scan3A_424 = %broadcast_in_dim3A_93, %scan3A_425 = %broadcast_in_dim3A_95, %scan3A_426 = %broadcast_in_dim3A_97, %scan3A_427 = %broadcast_in_dim3A_99, %scan3A_428 = %broadcast_in_dim3A_101, %scan3A_429 = %broadcast_in_dim3A_103, %scan3A_430 = %broadcast_in_dim3A_105, %scan3A_431 = %broadcast_in_dim3A_107) -> (vector<16xf32>, vector<16xf32>, vector<16xf32>, vector<16xf32>, vector<16xf32>, vector<16xf32>, vector<16xf32>, vector<16xf32>)  : i32 {
        %mul3A_432 = arith.constant 4 : i32
        %mul3A_433 = arith.muli %mul3A_432, %scan3A_423 : i32
        %get3A = arith.constant 0 : i32
        %get3A_434 = arith.index_cast %get3A : i32 to index
        %get3A_435 = arith.index_cast %mul3A_433 : i32 to index
        %get3A_436 = arith.constant 0 : index
        %get3A_437 = tpu.vector_load %arg6[%get3A_434, %get3A_435, %get3A_436] {strides = array<i32>} : memref<4x200x128xf32, #tpu.memory_space<vmem>>, vector<1x1x16xf32>,
        %get3A_438 = vector.shape_cast %get3A_437 : vector<1x1x16xf32> to vector<16xf32>
        %mul3A_439 = arith.constant 4 : i32
        %mul3A_440 = arith.muli %mul3A_439, %scan3A_423 : i32
        %add3A_441 = arith.constant 1 : i32
        %add3A_442 = arith.addi %mul3A_440, %add3A_441 : i32
        %get3A_443 = arith.constant 0 : i32
        %get3A_444 = arith.index_cast %get3A_443 : i32 to index
        %get3A_445 = arith.index_cast %add3A_442 : i32 to index
        %get3A_446 = arith.constant 0 : index
        %get3A_447 = tpu.vector_load %arg6[%get3A_444, %get3A_445, %get3A_446] {strides = array<i32>} : memref<4x200x128xf32, #tpu.memory_space<vmem>>, vector<1x1x16xf32>,
        %get3A_448 = vector.shape_cast %get3A_447 : vector<1x1x16xf32> to vector<16xf32>
        %add3A_449 = arith.addf %get3A_438, %get3A_448 : vector<16xf32>
        %mul3A_450 = arith.constant 4 : i32
        %mul3A_451 = arith.muli %mul3A_450, %scan3A_423 : i32
        %add3A_452 = arith.constant 2 : i32
        %add3A_453 = arith.addi %mul3A_451, %add3A_452 : i32
        %get3A_454 = arith.constant 0 : i32
        %get3A_455 = arith.index_cast %get3A_454 : i32 to index
        %get3A_456 = arith.index_cast %add3A_453 : i32 to index
        %get3A_457 = arith.constant 0 : index
        %get3A_458 = tpu.vector_load %arg6[%get3A_455, %get3A_456, %get3A_457] {strides = array<i32>} : memref<4x200x128xf32, #tpu.memory_space<vmem>>, vector<1x1x16xf32>,
        %get3A_459 = vector.shape_cast %get3A_458 : vector<1x1x16xf32> to vector<16xf32>
        %mul3A_460 = arith.constant 4 : i32
        %mul3A_461 = arith.muli %mul3A_460, %scan3A_423 : i32
        %add3A_462 = arith.constant 3 : i32
        %add3A_463 = arith.addi %mul3A_461, %add3A_462 : i32
        %get3A_464 = arith.constant 0 : i32
        %get3A_465 = arith.index_cast %get3A_464 : i32 to index
        %get3A_466 = arith.index_cast %add3A_463 : i32 to index
        %get3A_467 = arith.constant 0 : index
        %get3A_468 = tpu.vector_load %arg6[%get3A_465, %get3A_466, %get3A_467] {strides = array<i32>} : memref<4x200x128xf32, #tpu.memory_space<vmem>>, vector<1x1x16xf32>,
        %get3A_469 = vector.shape_cast %get3A_468 : vector<1x1x16xf32> to vector<16xf32>
        %add3A_470 = arith.addf %get3A_459, %get3A_469 : vector<16xf32>
        %add3A_471 = arith.addf %add3A_449, %add3A_470 : vector<16xf32>
        %add3A_472 = arith.addf %scan3A_424, %add3A_471 : vector<16xf32>
        %mul3A_473 = arith.constant 4 : i32
        %mul3A_474 = arith.muli %mul3A_473, %scan3A_423 : i32
        %get3A_475 = arith.constant 0 : i32
        %get3A_476 = arith.index_cast %get3A_475 : i32 to index
        %get3A_477 = arith.index_cast %mul3A_474 : i32 to index
        %get3A_478 = arith.constant 16 : index
        %get3A_479 = tpu.vector_load %arg6[%get3A_476, %get3A_477, %get3A_478] {strides = array<i32>} : memref<4x200x128xf32, #tpu.memory_space<vmem>>, vector<1x1x16xf32>,
        %get3A_480 = vector.shape_cast %get3A_479 : vector<1x1x16xf32> to vector<16xf32>
        %mul3A_481 = arith.constant 4 : i32
        %mul3A_482 = arith.muli %mul3A_481, %scan3A_423 : i32
        %add3A_483 = arith.constant 1 : i32
        %add3A_484 = arith.addi %mul3A_482, %add3A_483 : i32
        %get3A_485 = arith.constant 0 : i32
        %get3A_486 = arith.index_cast %get3A_485 : i32 to index
        %get3A_487 = arith.index_cast %add3A_484 : i32 to index
        %get3A_488 = arith.constant 16 : index
        %get3A_489 = tpu.vector_load %arg6[%get3A_486, %get3A_487, %get3A_488] {strides = array<i32>} : memref<4x200x128xf32, #tpu.memory_space<vmem>>, vector<1x1x16xf32>,
        %get3A_490 = vector.shape_cast %get3A_489 : vector<1x1x16xf32> to vector<16xf32>
        %add3A_491 = arith.addf %get3A_480, %get3A_490 : vector<16xf32>
        %mul3A_492 = arith.constant 4 : i32
        %mul3A_493 = arith.muli %mul3A_492, %scan3A_423 : i32
        %add3A_494 = arith.constant 2 : i32
        %add3A_495 = arith.addi %mul3A_493, %add3A_494 : i32
        %get3A_496 = arith.constant 0 : i32
        %get3A_497 = arith.index_cast %get3A_496 : i32 to index
        %get3A_498 = arith.index_cast %add3A_495 : i32 to index
        %get3A_499 = arith.constant 16 : index
        %get3A_500 = tpu.vector_load %arg6[%get3A_497, %get3A_498, %get3A_499] {strides = array<i32>} : memref<4x200x128xf32, #tpu.memory_space<vmem>>, vector<1x1x16xf32>,
        %get3A_501 = vector.shape_cast %get3A_500 : vector<1x1x16xf32> to vector<16xf32>
        %mul3A_502 = arith.constant 4 : i32
        %mul3A_503 = arith.muli %mul3A_502, %scan3A_423 : i32
        %add3A_504 = arith.constant 3 : i32
        %add3A_505 = arith.addi %mul3A_503, %add3A_504 : i32
        %get3A_506 = arith.constant 0 : i32
        %get3A_507 = arith.index_cast %get3A_506 : i32 to index
        %get3A_508 = arith.index_cast %add3A_505 : i32 to index
        %get3A_509 = arith.constant 16 : index
        %get3A_510 = tpu.vector_load %arg6[%get3A_507, %get3A_508, %get3A_509] {strides = array<i32>} : memref<4x200x128xf32, #tpu.memory_space<vmem>>, vector<1x1x16xf32>,
        %get3A_511 = vector.shape_cast %get3A_510 : vector<1x1x16xf32> to vector<16xf32>
        %add3A_512 = arith.addf %get3A_501, %get3A_511 : vector<16xf32>
        %add3A_513 = arith.addf %add3A_491, %add3A_512 : vector<16xf32>
        %add3A_514 = arith.addf %scan3A_425, %add3A_513 : vector<16xf32>
        %mul3A_515 = arith.constant 4 : i32
        %mul3A_516 = arith.muli %mul3A_515, %scan3A_423 : i32
        %get3A_517 = arith.constant 0 : i32
        %get3A_518 = arith.index_cast %get3A_517 : i32 to index
        %get3A_519 = arith.index_cast %mul3A_516 : i32 to index
        %get3A_520 = arith.constant 32 : index
        %get3A_521 = tpu.vector_load %arg6[%get3A_518, %get3A_519, %get3A_520] {strides = array<i32>} : memref<4x200x128xf32, #tpu.memory_space<vmem>>, vector<1x1x16xf32>,
        %get3A_522 = vector.shape_cast %get3A_521 : vector<1x1x16xf32> to vector<16xf32>
        %mul3A_523 = arith.constant 4 : i32
        %mul3A_524 = arith.muli %mul3A_523, %scan3A_423 : i32
        %add3A_525 = arith.constant 1 : i32
        %add3A_526 = arith.addi %mul3A_524, %add3A_525 : i32
        %get3A_527 = arith.constant 0 : i32
        %get3A_528 = arith.index_cast %get3A_527 : i32 to index
        %get3A_529 = arith.index_cast %add3A_526 : i32 to index
        %get3A_530 = arith.constant 32 : index
        %get3A_531 = tpu.vector_load %arg6[%get3A_528, %get3A_529, %get3A_530] {strides = array<i32>} : memref<4x200x128xf32, #tpu.memory_space<vmem>>, vector<1x1x16xf32>,
        %get3A_532 = vector.shape_cast %get3A_531 : vector<1x1x16xf32> to vector<16xf32>
        %add3A_533 = arith.addf %get3A_522, %get3A_532 : vector<16xf32>
        %mul3A_534 = arith.constant 4 : i32
        %mul3A_535 = arith.muli %mul3A_534, %scan3A_423 : i32
        %add3A_536 = arith.constant 2 : i32
        %add3A_537 = arith.addi %mul3A_535, %add3A_536 : i32
        %get3A_538 = arith.constant 0 : i32
        %get3A_539 = arith.index_cast %get3A_538 : i32 to index
        %get3A_540 = arith.index_cast %add3A_537 : i32 to index
        %get3A_541 = arith.constant 32 : index
        %get3A_542 = tpu.vector_load %arg6[%get3A_539, %get3A_540, %get3A_541] {strides = array<i32>} : memref<4x200x128xf32, #tpu.memory_space<vmem>>, vector<1x1x16xf32>,
        %get3A_543 = vector.shape_cast %get3A_542 : vector<1x1x16xf32> to vector<16xf32>
        %mul3A_544 = arith.constant 4 : i32
        %mul3A_545 = arith.muli %mul3A_544, %scan3A_423 : i32
        %add3A_546 = arith.constant 3 : i32
        %add3A_547 = arith.addi %mul3A_545, %add3A_546 : i32
        %get3A_548 = arith.constant 0 : i32
        %get3A_549 = arith.index_cast %get3A_548 : i32 to index
        %get3A_550 = arith.index_cast %add3A_547 : i32 to index
        %get3A_551 = arith.constant 32 : index
        %get3A_552 = tpu.vector_load %arg6[%get3A_549, %get3A_550, %get3A_551] {strides = array<i32>} : memref<4x200x128xf32, #tpu.memory_space<vmem>>, vector<1x1x16xf32>,
        %get3A_553 = vector.shape_cast %get3A_552 : vector<1x1x16xf32> to vector<16xf32>
        %add3A_554 = arith.addf %get3A_543, %get3A_553 : vector<16xf32>
        %add3A_555 = arith.addf %add3A_533, %add3A_554 : vector<16xf32>
        %add3A_556 = arith.addf %scan3A_426, %add3A_555 : vector<16xf32>
        %mul3A_557 = arith.constant 4 : i32
        %mul3A_558 = arith.muli %mul3A_557, %scan3A_423 : i32
        %get3A_559 = arith.constant 0 : i32
        %get3A_560 = arith.index_cast %get3A_559 : i32 to index
        %get3A_561 = arith.index_cast %mul3A_558 : i32 to index
        %get3A_562 = arith.constant 48 : index
        %get3A_563 = tpu.vector_load %arg6[%get3A_560, %get3A_561, %get3A_562] {strides = array<i32>} : memref<4x200x128xf32, #tpu.memory_space<vmem>>, vector<1x1x16xf32>,
        %get3A_564 = vector.shape_cast %get3A_563 : vector<1x1x16xf32> to vector<16xf32>
        %mul3A_565 = arith.constant 4 : i32
        %mul3A_566 = arith.muli %mul3A_565, %scan3A_423 : i32
        %add3A_567 = arith.constant 1 : i32
        %add3A_568 = arith.addi %mul3A_566, %add3A_567 : i32
        %get3A_569 = arith.constant 0 : i32
        %get3A_570 = arith.index_cast %get3A_569 : i32 to index
        %get3A_571 = arith.index_cast %add3A_568 : i32 to index
        %get3A_572 = arith.constant 48 : index
        %get3A_573 = tpu.vector_load %arg6[%get3A_570, %get3A_571, %get3A_572] {strides = array<i32>} : memref<4x200x128xf32, #tpu.memory_space<vmem>>, vector<1x1x16xf32>,
        %get3A_574 = vector.shape_cast %get3A_573 : vector<1x1x16xf32> to vector<16xf32>
        %add3A_575 = arith.addf %get3A_564, %get3A_574 : vector<16xf32>
        %mul3A_576 = arith.constant 4 : i32
        %mul3A_577 = arith.muli %mul3A_576, %scan3A_423 : i32
        %add3A_578 = arith.constant 2 : i32
        %add3A_579 = arith.addi %mul3A_577, %add3A_578 : i32
        %get3A_580 = arith.constant 0 : i32
        %get3A_581 = arith.index_cast %get3A_580 : i32 to index
        %get3A_582 = arith.index_cast %add3A_579 : i32 to index
        %get3A_583 = arith.constant 48 : index
        %get3A_584 = tpu.vector_load %arg6[%get3A_581, %get3A_582, %get3A_583] {strides = array<i32>} : memref<4x200x128xf32, #tpu.memory_space<vmem>>, vector<1x1x16xf32>,
        %get3A_585 = vector.shape_cast %get3A_584 : vector<1x1x16xf32> to vector<16xf32>
        %mul3A_586 = arith.constant 4 : i32
        %mul3A_587 = arith.muli %mul3A_586, %scan3A_423 : i32
        %add3A_588 = arith.constant 3 : i32
        %add3A_589 = arith.addi %mul3A_587, %add3A_588 : i32
        %get3A_590 = arith.constant 0 : i32
        %get3A_591 = arith.index_cast %get3A_590 : i32 to index
        %get3A_592 = arith.index_cast %add3A_589 : i32 to index
        %get3A_593 = arith.constant 48 : index
        %get3A_594 = tpu.vector_load %arg6[%get3A_591, %get3A_592, %get3A_593] {strides = array<i32>} : memref<4x200x128xf32, #tpu.memory_space<vmem>>, vector<1x1x16xf32>,
        %get3A_595 = vector.shape_cast %get3A_594 : vector<1x1x16xf32> to vector<16xf32>
        %add3A_596 = arith.addf %get3A_585, %get3A_595 : vector<16xf32>
        %add3A_597 = arith.addf %add3A_575, %add3A_596 : vector<16xf32>
        %add3A_598 = arith.addf %scan3A_427, %add3A_597 : vector<16xf32>
        %mul3A_599 = arith.constant 4 : i32
        %mul3A_600 = arith.muli %mul3A_599, %scan3A_423 : i32
        %get3A_601 = arith.constant 0 : i32
        %get3A_602 = arith.index_cast %get3A_601 : i32 to index
        %get3A_603 = arith.index_cast %mul3A_600 : i32 to index
        %get3A_604 = arith.constant 64 : index
        %get3A_605 = tpu.vector_load %arg6[%get3A_602, %get3A_603, %get3A_604] {strides = array<i32>} : memref<4x200x128xf32, #tpu.memory_space<vmem>>, vector<1x1x16xf32>,
        %get3A_606 = vector.shape_cast %get3A_605 : vector<1x1x16xf32> to vector<16xf32>
        %mul3A_607 = arith.constant 4 : i32
        %mul3A_608 = arith.muli %mul3A_607, %scan3A_423 : i32
        %add3A_609 = arith.constant 1 : i32
        %add3A_610 = arith.addi %mul3A_608, %add3A_609 : i32
        %get3A_611 = arith.constant 0 : i32
        %get3A_612 = arith.index_cast %get3A_611 : i32 to index
        %get3A_613 = arith.index_cast %add3A_610 : i32 to index
        %get3A_614 = arith.constant 64 : index
        %get3A_615 = tpu.vector_load %arg6[%get3A_612, %get3A_613, %get3A_614] {strides = array<i32>} : memref<4x200x128xf32, #tpu.memory_space<vmem>>, vector<1x1x16xf32>,
        %get3A_616 = vector.shape_cast %get3A_615 : vector<1x1x16xf32> to vector<16xf32>
        %add3A_617 = arith.addf %get3A_606, %get3A_616 : vector<16xf32>
        %mul3A_618 = arith.constant 4 : i32
        %mul3A_619 = arith.muli %mul3A_618, %scan3A_423 : i32
        %add3A_620 = arith.constant 2 : i32
        %add3A_621 = arith.addi %mul3A_619, %add3A_620 : i32
        %get3A_622 = arith.constant 0 : i32
        %get3A_623 = arith.index_cast %get3A_622 : i32 to index
        %get3A_624 = arith.index_cast %add3A_621 : i32 to index
        %get3A_625 = arith.constant 64 : index
        %get3A_626 = tpu.vector_load %arg6[%get3A_623, %get3A_624, %get3A_625] {strides = array<i32>} : memref<4x200x128xf32, #tpu.memory_space<vmem>>, vector<1x1x16xf32>,
        %get3A_627 = vector.shape_cast %get3A_626 : vector<1x1x16xf32> to vector<16xf32>
        %mul3A_628 = arith.constant 4 : i32
        %mul3A_629 = arith.muli %mul3A_628, %scan3A_423 : i32
        %add3A_630 = arith.constant 3 : i32
        %add3A_631 = arith.addi %mul3A_629, %add3A_630 : i32
        %get3A_632 = arith.constant 0 : i32
        %get3A_633 = arith.index_cast %get3A_632 : i32 to index
        %get3A_634 = arith.index_cast %add3A_631 : i32 to index
        %get3A_635 = arith.constant 64 : index
        %get3A_636 = tpu.vector_load %arg6[%get3A_633, %get3A_634, %get3A_635] {strides = array<i32>} : memref<4x200x128xf32, #tpu.memory_space<vmem>>, vector<1x1x16xf32>,
        %get3A_637 = vector.shape_cast %get3A_636 : vector<1x1x16xf32> to vector<16xf32>
        %add3A_638 = arith.addf %get3A_627, %get3A_637 : vector<16xf32>
        %add3A_639 = arith.addf %add3A_617, %add3A_638 : vector<16xf32>
        %add3A_640 = arith.addf %scan3A_428, %add3A_639 : vector<16xf32>
        %mul3A_641 = arith.constant 4 : i32
        %mul3A_642 = arith.muli %mul3A_641, %scan3A_423 : i32
        %get3A_643 = arith.constant 0 : i32
        %get3A_644 = arith.index_cast %get3A_643 : i32 to index
        %get3A_645 = arith.index_cast %mul3A_642 : i32 to index
        %get3A_646 = arith.constant 80 : index
        %get3A_647 = tpu.vector_load %arg6[%get3A_644, %get3A_645, %get3A_646] {strides = array<i32>} : memref<4x200x128xf32, #tpu.memory_space<vmem>>, vector<1x1x16xf32>,
        %get3A_648 = vector.shape_cast %get3A_647 : vector<1x1x16xf32> to vector<16xf32>
        %mul3A_649 = arith.constant 4 : i32
        %mul3A_650 = arith.muli %mul3A_649, %scan3A_423 : i32
        %add3A_651 = arith.constant 1 : i32
        %add3A_652 = arith.addi %mul3A_650, %add3A_651 : i32
        %get3A_653 = arith.constant 0 : i32
        %get3A_654 = arith.index_cast %get3A_653 : i32 to index
        %get3A_655 = arith.index_cast %add3A_652 : i32 to index
        %get3A_656 = arith.constant 80 : index
        %get3A_657 = tpu.vector_load %arg6[%get3A_654, %get3A_655, %get3A_656] {strides = array<i32>} : memref<4x200x128xf32, #tpu.memory_space<vmem>>, vector<1x1x16xf32>,
        %get3A_658 = vector.shape_cast %get3A_657 : vector<1x1x16xf32> to vector<16xf32>
        %add3A_659 = arith.addf %get3A_648, %get3A_658 : vector<16xf32>
        %mul3A_660 = arith.constant 4 : i32
        %mul3A_661 = arith.muli %mul3A_660, %scan3A_423 : i32
        %add3A_662 = arith.constant 2 : i32
        %add3A_663 = arith.addi %mul3A_661, %add3A_662 : i32
        %get3A_664 = arith.constant 0 : i32
        %get3A_665 = arith.index_cast %get3A_664 : i32 to index
        %get3A_666 = arith.index_cast %add3A_663 : i32 to index
        %get3A_667 = arith.constant 80 : index
        %get3A_668 = tpu.vector_load %arg6[%get3A_665, %get3A_666, %get3A_667] {strides = array<i32>} : memref<4x200x128xf32, #tpu.memory_space<vmem>>, vector<1x1x16xf32>,
        %get3A_669 = vector.shape_cast %get3A_668 : vector<1x1x16xf32> to vector<16xf32>
        %mul3A_670 = arith.constant 4 : i32
        %mul3A_671 = arith.muli %mul3A_670, %scan3A_423 : i32
        %add3A_672 = arith.constant 3 : i32
        %add3A_673 = arith.addi %mul3A_671, %add3A_672 : i32
        %get3A_674 = arith.constant 0 : i32
        %get3A_675 = arith.index_cast %get3A_674 : i32 to index
        %get3A_676 = arith.index_cast %add3A_673 : i32 to index
        %get3A_677 = arith.constant 80 : index
        %get3A_678 = tpu.vector_load %arg6[%get3A_675, %get3A_676, %get3A_677] {strides = array<i32>} : memref<4x200x128xf32, #tpu.memory_space<vmem>>, vector<1x1x16xf32>,
        %get3A_679 = vector.shape_cast %get3A_678 : vector<1x1x16xf32> to vector<16xf32>
        %add3A_680 = arith.addf %get3A_669, %get3A_679 : vector<16xf32>
        %add3A_681 = arith.addf %add3A_659, %add3A_680 : vector<16xf32>
        %add3A_682 = arith.addf %scan3A_429, %add3A_681 : vector<16xf32>
        %mul3A_683 = arith.constant 4 : i32
        %mul3A_684 = arith.muli %mul3A_683, %scan3A_423 : i32
        %get3A_685 = arith.constant 0 : i32
        %get3A_686 = arith.index_cast %get3A_685 : i32 to index
        %get3A_687 = arith.index_cast %mul3A_684 : i32 to index
        %get3A_688 = arith.constant 96 : index
        %get3A_689 = tpu.vector_load %arg6[%get3A_686, %get3A_687, %get3A_688] {strides = array<i32>} : memref<4x200x128xf32, #tpu.memory_space<vmem>>, vector<1x1x16xf32>,
        %get3A_690 = vector.shape_cast %get3A_689 : vector<1x1x16xf32> to vector<16xf32>
        %mul3A_691 = arith.constant 4 : i32
        %mul3A_692 = arith.muli %mul3A_691, %scan3A_423 : i32
        %add3A_693 = arith.constant 1 : i32
        %add3A_694 = arith.addi %mul3A_692, %add3A_693 : i32
        %get3A_695 = arith.constant 0 : i32
        %get3A_696 = arith.index_cast %get3A_695 : i32 to index
        %get3A_697 = arith.index_cast %add3A_694 : i32 to index
        %get3A_698 = arith.constant 96 : index
        %get3A_699 = tpu.vector_load %arg6[%get3A_696, %get3A_697, %get3A_698] {strides = array<i32>} : memref<4x200x128xf32, #tpu.memory_space<vmem>>, vector<1x1x16xf32>,
        %get3A_700 = vector.shape_cast %get3A_699 : vector<1x1x16xf32> to vector<16xf32>
        %add3A_701 = arith.addf %get3A_690, %get3A_700 : vector<16xf32>
        %mul3A_702 = arith.constant 4 : i32
        %mul3A_703 = arith.muli %mul3A_702, %scan3A_423 : i32
        %add3A_704 = arith.constant 2 : i32
        %add3A_705 = arith.addi %mul3A_703, %add3A_704 : i32
        %get3A_706 = arith.constant 0 : i32
        %get3A_707 = arith.index_cast %get3A_706 : i32 to index
        %get3A_708 = arith.index_cast %add3A_705 : i32 to index
        %get3A_709 = arith.constant 96 : index
        %get3A_710 = tpu.vector_load %arg6[%get3A_707, %get3A_708, %get3A_709] {strides = array<i32>} : memref<4x200x128xf32, #tpu.memory_space<vmem>>, vector<1x1x16xf32>,
        %get3A_711 = vector.shape_cast %get3A_710 : vector<1x1x16xf32> to vector<16xf32>
        %mul3A_712 = arith.constant 4 : i32
        %mul3A_713 = arith.muli %mul3A_712, %scan3A_423 : i32
        %add3A_714 = arith.constant 3 : i32
        %add3A_715 = arith.addi %mul3A_713, %add3A_714 : i32
        %get3A_716 = arith.constant 0 : i32
        %get3A_717 = arith.index_cast %get3A_716 : i32 to index
        %get3A_718 = arith.index_cast %add3A_715 : i32 to index
        %get3A_719 = arith.constant 96 : index
        %get3A_720 = tpu.vector_load %arg6[%get3A_717, %get3A_718, %get3A_719] {strides = array<i32>} : memref<4x200x128xf32, #tpu.memory_space<vmem>>, vector<1x1x16xf32>,
        %get3A_721 = vector.shape_cast %get3A_720 : vector<1x1x16xf32> to vector<16xf32>
        %add3A_722 = arith.addf %get3A_711, %get3A_721 : vector<16xf32>
        %add3A_723 = arith.addf %add3A_701, %add3A_722 : vector<16xf32>
        %add3A_724 = arith.addf %scan3A_430, %add3A_723 : vector<16xf32>
        %mul3A_725 = arith.constant 4 : i32
        %mul3A_726 = arith.muli %mul3A_725, %scan3A_423 : i32
        %get3A_727 = arith.constant 0 : i32
        %get3A_728 = arith.index_cast %get3A_727 : i32 to index
        %get3A_729 = arith.index_cast %mul3A_726 : i32 to index
        %get3A_730 = arith.constant 112 : index
        %get3A_731 = tpu.vector_load %arg6[%get3A_728, %get3A_729, %get3A_730] {strides = array<i32>} : memref<4x200x128xf32, #tpu.memory_space<vmem>>, vector<1x1x16xf32>,
        %get3A_732 = vector.shape_cast %get3A_731 : vector<1x1x16xf32> to vector<16xf32>
        %mul3A_733 = arith.constant 4 : i32
        %mul3A_734 = arith.muli %mul3A_733, %scan3A_423 : i32
        %add3A_735 = arith.constant 1 : i32
        %add3A_736 = arith.addi %mul3A_734, %add3A_735 : i32
        %get3A_737 = arith.constant 0 : i32
        %get3A_738 = arith.index_cast %get3A_737 : i32 to index
        %get3A_739 = arith.index_cast %add3A_736 : i32 to index
        %get3A_740 = arith.constant 112 : index
        %get3A_741 = tpu.vector_load %arg6[%get3A_738, %get3A_739, %get3A_740] {strides = array<i32>} : memref<4x200x128xf32, #tpu.memory_space<vmem>>, vector<1x1x16xf32>,
        %get3A_742 = vector.shape_cast %get3A_741 : vector<1x1x16xf32> to vector<16xf32>
        %add3A_743 = arith.addf %get3A_732, %get3A_742 : vector<16xf32>
        %mul3A_744 = arith.constant 4 : i32
        %mul3A_745 = arith.muli %mul3A_744, %scan3A_423 : i32
        %add3A_746 = arith.constant 2 : i32
        %add3A_747 = arith.addi %mul3A_745, %add3A_746 : i32
        %get3A_748 = arith.constant 0 : i32
        %get3A_749 = arith.index_cast %get3A_748 : i32 to index
        %get3A_750 = arith.index_cast %add3A_747 : i32 to index
        %get3A_751 = arith.constant 112 : index
        %get3A_752 = tpu.vector_load %arg6[%get3A_749, %get3A_750, %get3A_751] {strides = array<i32>} : memref<4x200x128xf32, #tpu.memory_space<vmem>>, vector<1x1x16xf32>,
        %get3A_753 = vector.shape_cast %get3A_752 : vector<1x1x16xf32> to vector<16xf32>
        %mul3A_754 = arith.constant 4 : i32
        %mul3A_755 = arith.muli %mul3A_754, %scan3A_423 : i32
        %add3A_756 = arith.constant 3 : i32
        %add3A_757 = arith.addi %mul3A_755, %add3A_756 : i32
        %get3A_758 = arith.constant 0 : i32
        %get3A_759 = arith.index_cast %get3A_758 : i32 to index
        %get3A_760 = arith.index_cast %add3A_757 : i32 to index
        %get3A_761 = arith.constant 112 : index
        %get3A_762 = tpu.vector_load %arg6[%get3A_759, %get3A_760, %get3A_761] {strides = array<i32>} : memref<4x200x128xf32, #tpu.memory_space<vmem>>, vector<1x1x16xf32>,
        %get3A_763 = vector.shape_cast %get3A_762 : vector<1x1x16xf32> to vector<16xf32>
        %add3A_764 = arith.addf %get3A_753, %get3A_763 : vector<16xf32>
        %add3A_765 = arith.addf %add3A_743, %add3A_764 : vector<16xf32>
        %add3A_766 = arith.addf %scan3A_431, %add3A_765 : vector<16xf32>
        scf.yield %add3A_472, %add3A_514, %add3A_556, %add3A_598, %add3A_640, %add3A_682, %add3A_724, %add3A_766 : vector<16xf32>, vector<16xf32>, vector<16xf32>, vector<16xf32>, vector<16xf32>, vector<16xf32>, vector<16xf32>, vector<16xf32>
      }
      %scan3A_113 = arith.constant 50 : i32
      %swap3A = arith.index_cast %add3A_73 : i32 to index
      %swap3A_114 = arith.constant 0 : index
      %swap3A_115 = tpu.vector_load %arg7[%swap3A, %swap3A_114] {strides = array<i32>} : memref<32x128xf32, #tpu.memory_space<vmem>>, vector<1x16xf32>,
      %swap3A_116 = vector.shape_cast %swap3A_115 : vector<1x16xf32> to vector<16xf32>
      %swap3A_117 = vector.shape_cast %scan3A_112#0 : vector<16xf32> to vector<1x16xf32>
      tpu.vector_store %arg7[%swap3A, %swap3A_114], %swap3A_117 {strides = array<i32>} : memref<32x128xf32, #tpu.memory_space<vmem>>, vector<1x16xf32>,
      %swap3A_118 = arith.index_cast %add3A_73 : i32 to index
      %swap3A_119 = arith.constant 16 : index
      %swap3A_120 = tpu.vector_load %arg7[%swap3A_118, %swap3A_119] {strides = array<i32>} : memref<32x128xf32, #tpu.memory_space<vmem>>, vector<1x16xf32>,
      %swap3A_121 = vector.shape_cast %swap3A_120 : vector<1x16xf32> to vector<16xf32>
      %swap3A_122 = vector.shape_cast %scan3A_112#1 : vector<16xf32> to vector<1x16xf32>
      tpu.vector_store %arg7[%swap3A_118, %swap3A_119], %swap3A_122 {strides = array<i32>} : memref<32x128xf32, #tpu.memory_space<vmem>>, vector<1x16xf32>,
      %swap3A_123 = arith.index_cast %add3A_73 : i32 to index
      %swap3A_124 = arith.constant 32 : index
      %swap3A_125 = tpu.vector_load %arg7[%swap3A_123, %swap3A_124] {strides = array<i32>} : memref<32x128xf32, #tpu.memory_space<vmem>>, vector<1x16xf32>,
      %swap3A_126 = vector.shape_cast %swap3A_125 : vector<1x16xf32> to vector<16xf32>
      %swap3A_127 = vector.shape_cast %scan3A_112#2 : vector<16xf32> to vector<1x16xf32>
      tpu.vector_store %arg7[%swap3A_123, %swap3A_124], %swap3A_127 {strides = array<i32>} : memref<32x128xf32, #tpu.memory_space<vmem>>, vector<1x16xf32>,
      %swap3A_128 = arith.index_cast %add3A_73 : i32 to index
      %swap3A_129 = arith.constant 48 : index
      %swap3A_130 = tpu.vector_load %arg7[%swap3A_128, %swap3A_129] {strides = array<i32>} : memref<32x128xf32, #tpu.memory_space<vmem>>, vector<1x16xf32>,
      %swap3A_131 = vector.shape_cast %swap3A_130 : vector<1x16xf32> to vector<16xf32>
      %swap3A_132 = vector.shape_cast %scan3A_112#3 : vector<16xf32> to vector<1x16xf32>
      tpu.vector_store %arg7[%swap3A_128, %swap3A_129], %swap3A_132 {strides = array<i32>} : memref<32x128xf32, #tpu.memory_space<vmem>>, vector<1x16xf32>,
      %swap3A_133 = arith.index_cast %add3A_73 : i32 to index
      %swap3A_134 = arith.constant 64 : index
      %swap3A_135 = tpu.vector_load %arg7[%swap3A_133, %swap3A_134] {strides = array<i32>} : memref<32x128xf32, #tpu.memory_space<vmem>>, vector<1x16xf32>,
      %swap3A_136 = vector.shape_cast %swap3A_135 : vector<1x16xf32> to vector<16xf32>
      %swap3A_137 = vector.shape_cast %scan3A_112#4 : vector<16xf32> to vector<1x16xf32>
      tpu.vector_store %arg7[%swap3A_133, %swap3A_134], %swap3A_137 {strides = array<i32>} : memref<32x128xf32, #tpu.memory_space<vmem>>, vector<1x16xf32>,
      %swap3A_138 = arith.index_cast %add3A_73 : i32 to index
      %swap3A_139 = arith.constant 80 : index
      %swap3A_140 = tpu.vector_load %arg7[%swap3A_138, %swap3A_139] {strides = array<i32>} : memref<32x128xf32, #tpu.memory_space<vmem>>, vector<1x16xf32>,
      %swap3A_141 = vector.shape_cast %swap3A_140 : vector<1x16xf32> to vector<16xf32>
      %swap3A_142 = vector.shape_cast %scan3A_112#5 : vector<16xf32> to vector<1x16xf32>
      tpu.vector_store %arg7[%swap3A_138, %swap3A_139], %swap3A_142 {strides = array<i32>} : memref<32x128xf32, #tpu.memory_space<vmem>>, vector<1x16xf32>,
      %swap3A_143 = arith.index_cast %add3A_73 : i32 to index
      %swap3A_144 = arith.constant 96 : index
      %swap3A_145 = tpu.vector_load %arg7[%swap3A_143, %swap3A_144] {strides = array<i32>} : memref<32x128xf32, #tpu.memory_space<vmem>>, vector<1x16xf32>,
      %swap3A_146 = vector.shape_cast %swap3A_145 : vector<1x16xf32> to vector<16xf32>
      %swap3A_147 = vector.shape_cast %scan3A_112#6 : vector<16xf32> to vector<1x16xf32>
      tpu.vector_store %arg7[%swap3A_143, %swap3A_144], %swap3A_147 {strides = array<i32>} : memref<32x128xf32, #tpu.memory_space<vmem>>, vector<1x16xf32>,
      %swap3A_148 = arith.index_cast %add3A_73 : i32 to index
      %swap3A_149 = arith.constant 112 : index
      %swap3A_150 = tpu.vector_load %arg7[%swap3A_148, %swap3A_149] {strides = array<i32>} : memref<32x128xf32, #tpu.memory_space<vmem>>, vector<1x16xf32>,
      %swap3A_151 = vector.shape_cast %swap3A_150 : vector<1x16xf32> to vector<16xf32>
      %swap3A_152 = vector.shape_cast %scan3A_112#7 : vector<16xf32> to vector<1x16xf32>
      tpu.vector_store %arg7[%swap3A_148, %swap3A_149], %swap3A_152 {strides = array<i32>} : memref<32x128xf32, #tpu.memory_space<vmem>>, vector<1x16xf32>,
      %mul3A_153 = arith.constant 4 : i32
      %mul3A_154 = arith.muli %scan3A_69, %mul3A_153 : i32
      %add3A_155 = arith.constant 1 : i32
      %add3A_156 = arith.addi %mul3A_154, %add3A_155 : i32
      %add3A_157 = arith.constant 4 : i32
      %add3A_158 = arith.addi %add3A_156, %add3A_157 : i32
      %sub3A_159 = arith.constant 1 : i32
      %sub3A_160 = arith.subi %add3A_158, %sub3A_159 : i32
      %lt3A_161 = arith.constant 32 : i32
      %lt3A_162 = arith.cmpi slt, %sub3A_160, %lt3A_161 : i32
      %convert_element_type3A_163 = arith.extui %lt3A_162 : i1 to i32
      %cond3A_164 = arith.constant 0 : i32
      %cond3A_165 = arith.cmpi ne, %convert_element_type3A_163, %cond3A_164 : i32
      scf.if %cond3A_165 {
        %mul3A_423 = arith.constant 200 : i32
        %mul3A_424 = arith.muli %sub3A_160, %mul3A_423 : i32
        %dma_start3A_425 = arith.constant 0 : i32
        %dma_start3A_426 = arith.constant 0 : i32
        %dma_start3A_427 = arith.constant 0 : i32
        %dma_start3A_428 = tpu.memref_slice %arg6[%dma_start3A_425, %dma_start3A_426, %dma_start3A_427] : memref<4x200x128xf32, #tpu.memory_space<vmem>> -> memref<1x104x128xf32, #tpu.memory_space<vmem>>
        %dma_start3A_429 = tpu.memref_squeeze %dma_start3A_428 : memref<1x104x128xf32, #tpu.memory_space<vmem>> -> memref<104x128xf32, #tpu.memory_space<vmem>>
        %dma_start3A_430 = tpu.memref_slice %arg5[%mul3A_424] : memref<6400xi32, #tpu.memory_space<vmem>> -> memref<104xi32, #tpu.memory_space<vmem>>
        %dma_start3A_431 = arith.constant 0 : i32
        %dma_start3A_432 = arith.constant 0 : i32
        %dma_start3A_433 = tpu.memref_slice %arg3[%dma_start3A_431, %dma_start3A_432] : memref<100000x128xf32, #tpu.memory_space<hbm>> -> memref<100000x128xf32, #tpu.memory_space<hbm>>
        tpu.enqueue_indirect_dma source(%dma_start3A_433 : memref<100000x128xf32, #tpu.memory_space<hbm>>) target(%dma_start3A_429 : memref<104x128xf32, #tpu.memory_space<vmem>>) offsets(%dma_start3A_430 : memref<104xi32, #tpu.memory_space<vmem>>) semaphore(%arg8 : memref<!tpu.dma_semaphore, #tpu.memory_space<semaphore_mem>>)
        %mul3A_434 = arith.constant 200 : i32
        %mul3A_435 = arith.muli %sub3A_160, %mul3A_434 : i32
        %add3A_436 = arith.constant 104 : i32
        %add3A_437 = arith.addi %mul3A_435, %add3A_436 : i32
        %dma_start3A_438 = arith.constant 0 : i32
        %dma_start3A_439 = arith.constant 104 : i32
        %dma_start3A_440 = arith.constant 0 : i32
        %dma_start3A_441 = tpu.memref_slice %arg6[%dma_start3A_438, %dma_start3A_439, %dma_start3A_440] : memref<4x200x128xf32, #tpu.memory_space<vmem>> -> memref<1x96x128xf32, #tpu.memory_space<vmem>>
        %dma_start3A_442 = tpu.memref_squeeze %dma_start3A_441 : memref<1x96x128xf32, #tpu.memory_space<vmem>> -> memref<96x128xf32, #tpu.memory_space<vmem>>
        %dma_start3A_443 = tpu.memref_slice %arg5[%add3A_437] : memref<6400xi32, #tpu.memory_space<vmem>> -> memref<96xi32, #tpu.memory_space<vmem>>
        %dma_start3A_444 = arith.constant 0 : i32
        %dma_start3A_445 = arith.constant 0 : i32
        %dma_start3A_446 = tpu.memref_slice %arg3[%dma_start3A_444, %dma_start3A_445] : memref<100000x128xf32, #tpu.memory_space<hbm>> -> memref<100000x128xf32, #tpu.memory_space<hbm>>
        tpu.enqueue_indirect_dma source(%dma_start3A_446 : memref<100000x128xf32, #tpu.memory_space<hbm>>) target(%dma_start3A_442 : memref<96x128xf32, #tpu.memory_space<vmem>>) offsets(%dma_start3A_443 : memref<96xi32, #tpu.memory_space<vmem>>) semaphore(%arg8 : memref<!tpu.dma_semaphore, #tpu.memory_space<semaphore_mem>>)
      } else {
      }
      %dma_wait3A_166 = arith.constant 1 : i32
      %dma_wait3A_167 = arith.constant 0 : i32
      %dma_wait3A_168 = arith.constant 0 : i32
      %dma_wait3A_169 = tpu.memref_slice %arg6[%dma_wait3A_166, %dma_wait3A_167, %dma_wait3A_168] : memref<4x200x128xf32, #tpu.memory_space<vmem>> -> memref<1x200x128xf32, #tpu.memory_space<vmem>>
      %dma_wait3A_170 = tpu.memref_squeeze %dma_wait3A_169 : memref<1x200x128xf32, #tpu.memory_space<vmem>> -> memref<200x128xf32, #tpu.memory_space<vmem>>
      %dma_wait3A_171 = arith.constant 0 : i32
      %dma_wait3A_172 = arith.constant 0 : i32
      %dma_wait3A_173 = tpu.memref_slice %arg3[%dma_wait3A_171, %dma_wait3A_172] : memref<100000x128xf32, #tpu.memory_space<hbm>> -> memref<200x128xf32, #tpu.memory_space<hbm>>
      %dma_wait3A_174 = arith.constant 0 : i32
      %dma_wait3A_175 = arith.constant 0 : i32
      %dma_wait3A_176 = tpu.memref_slice %arg6[%dma_wait3A_166, %dma_wait3A_174, %dma_wait3A_175] : memref<4x200x128xf32, #tpu.memory_space<vmem>> -> memref<1x200x128xf32, #tpu.memory_space<vmem>>
      %dma_wait3A_177 = tpu.memref_squeeze %dma_wait3A_176 : memref<1x200x128xf32, #tpu.memory_space<vmem>> -> memref<200x128xf32, #tpu.memory_space<vmem>>
      %dma_wait3A_178 = arith.constant 0 : i32
      %dma_wait3A_179 = arith.constant 0 : i32
      %dma_wait3A_180 = tpu.memref_slice %arg3[%dma_wait3A_178, %dma_wait3A_179] : memref<100000x128xf32, #tpu.memory_space<hbm>> -> memref<200x128xf32, #tpu.memory_space<hbm>>
      tpu.wait_dma2 semaphore(%arg9 : memref<!tpu.dma_semaphore, #tpu.memory_space<semaphore_mem>>) src(%dma_wait3A_180 : memref<200x128xf32, #tpu.memory_space<hbm>>) dst(%dma_wait3A_177 : memref<200x128xf32, #tpu.memory_space<vmem>>)
      %broadcast_in_dim3A_181 = arith.constant 0.000000e+00 : f32
      %broadcast_in_dim3A_182 = vector.broadcast %broadcast_in_dim3A_181 : f32 to vector<16xf32>
      %broadcast_in_dim3A_183 = arith.constant 0.000000e+00 : f32
      %broadcast_in_dim3A_184 = vector.broadcast %broadcast_in_dim3A_183 : f32 to vector<16xf32>
      %broadcast_in_dim3A_185 = arith.constant 0.000000e+00 : f32
      %broadcast_in_dim3A_186 = vector.broadcast %broadcast_in_dim3A_185 : f32 to vector<16xf32>
      %broadcast_in_dim3A_187 = arith.constant 0.000000e+00 : f32
      %broadcast_in_dim3A_188 = vector.broadcast %broadcast_in_dim3A_187 : f32 to vector<16xf32>
      %broadcast_in_dim3A_189 = arith.constant 0.000000e+00 : f32
      %broadcast_in_dim3A_190 = vector.broadcast %broadcast_in_dim3A_189 : f32 to vector<16xf32>
      %broadcast_in_dim3A_191 = arith.constant 0.000000e+00 : f32
      %broadcast_in_dim3A_192 = vector.broadcast %broadcast_in_dim3A_191 : f32 to vector<16xf32>
      %broadcast_in_dim3A_193 = arith.constant 0.000000e+00 : f32
      %broadcast_in_dim3A_194 = vector.broadcast %broadcast_in_dim3A_193 : f32 to vector<16xf32>
      %broadcast_in_dim3A_195 = arith.constant 0.000000e+00 : f32
      %broadcast_in_dim3A_196 = vector.broadcast %broadcast_in_dim3A_195 : f32 to vector<16xf32>
      %scan3A_197 = arith.constant 0 : i32
      %scan3A_198 = arith.constant 50 : i32
      %scan3A_199 = arith.addi %scan3A_197, %scan3A_198 : i32
      %scan3A_200 = arith.constant 1 : i32
      %scan3A_201:8 = scf.for %scan3A_423 = %scan3A_197 to %scan3A_199 step %scan3A_200 iter_args(%scan3A_424 = %broadcast_in_dim3A_182, %scan3A_425 = %broadcast_in_dim3A_184, %scan3A_426 = %broadcast_in_dim3A_186, %scan3A_427 = %broadcast_in_dim3A_188, %scan3A_428 = %broadcast_in_dim3A_190, %scan3A_429 = %broadcast_in_dim3A_192, %scan3A_430 = %broadcast_in_dim3A_194, %scan3A_431 = %broadcast_in_dim3A_196) -> (vector<16xf32>, vector<16xf32>, vector<16xf32>, vector<16xf32>, vector<16xf32>, vector<16xf32>, vector<16xf32>, vector<16xf32>)  : i32 {
        %mul3A_432 = arith.constant 4 : i32
        %mul3A_433 = arith.muli %mul3A_432, %scan3A_423 : i32
        %get3A = arith.constant 1 : i32
        %get3A_434 = arith.index_cast %get3A : i32 to index
        %get3A_435 = arith.index_cast %mul3A_433 : i32 to index
        %get3A_436 = arith.constant 0 : index
        %get3A_437 = tpu.vector_load %arg6[%get3A_434, %get3A_435, %get3A_436] {strides = array<i32>} : memref<4x200x128xf32, #tpu.memory_space<vmem>>, vector<1x1x16xf32>,
        %get3A_438 = vector.shape_cast %get3A_437 : vector<1x1x16xf32> to vector<16xf32>
        %mul3A_439 = arith.constant 4 : i32
        %mul3A_440 = arith.muli %mul3A_439, %scan3A_423 : i32
        %add3A_441 = arith.constant 1 : i32
        %add3A_442 = arith.addi %mul3A_440, %add3A_441 : i32
        %get3A_443 = arith.constant 1 : i32
        %get3A_444 = arith.index_cast %get3A_443 : i32 to index
        %get3A_445 = arith.index_cast %add3A_442 : i32 to index
        %get3A_446 = arith.constant 0 : index
        %get3A_447 = tpu.vector_load %arg6[%get3A_444, %get3A_445, %get3A_446] {strides = array<i32>} : memref<4x200x128xf32, #tpu.memory_space<vmem>>, vector<1x1x16xf32>,
        %get3A_448 = vector.shape_cast %get3A_447 : vector<1x1x16xf32> to vector<16xf32>
        %add3A_449 = arith.addf %get3A_438, %get3A_448 : vector<16xf32>
        %mul3A_450 = arith.constant 4 : i32
        %mul3A_451 = arith.muli %mul3A_450, %scan3A_423 : i32
        %add3A_452 = arith.constant 2 : i32
        %add3A_453 = arith.addi %mul3A_451, %add3A_452 : i32
        %get3A_454 = arith.constant 1 : i32
        %get3A_455 = arith.index_cast %get3A_454 : i32 to index
        %get3A_456 = arith.index_cast %add3A_453 : i32 to index
        %get3A_457 = arith.constant 0 : index
        %get3A_458 = tpu.vector_load %arg6[%get3A_455, %get3A_456, %get3A_457] {strides = array<i32>} : memref<4x200x128xf32, #tpu.memory_space<vmem>>, vector<1x1x16xf32>,
        %get3A_459 = vector.shape_cast %get3A_458 : vector<1x1x16xf32> to vector<16xf32>
        %mul3A_460 = arith.constant 4 : i32
        %mul3A_461 = arith.muli %mul3A_460, %scan3A_423 : i32
        %add3A_462 = arith.constant 3 : i32
        %add3A_463 = arith.addi %mul3A_461, %add3A_462 : i32
        %get3A_464 = arith.constant 1 : i32
        %get3A_465 = arith.index_cast %get3A_464 : i32 to index
        %get3A_466 = arith.index_cast %add3A_463 : i32 to index
        %get3A_467 = arith.constant 0 : index
        %get3A_468 = tpu.vector_load %arg6[%get3A_465, %get3A_466, %get3A_467] {strides = array<i32>} : memref<4x200x128xf32, #tpu.memory_space<vmem>>, vector<1x1x16xf32>,
        %get3A_469 = vector.shape_cast %get3A_468 : vector<1x1x16xf32> to vector<16xf32>
        %add3A_470 = arith.addf %get3A_459, %get3A_469 : vector<16xf32>
        %add3A_471 = arith.addf %add3A_449, %add3A_470 : vector<16xf32>
        %add3A_472 = arith.addf %scan3A_424, %add3A_471 : vector<16xf32>
        %mul3A_473 = arith.constant 4 : i32
        %mul3A_474 = arith.muli %mul3A_473, %scan3A_423 : i32
        %get3A_475 = arith.constant 1 : i32
        %get3A_476 = arith.index_cast %get3A_475 : i32 to index
        %get3A_477 = arith.index_cast %mul3A_474 : i32 to index
        %get3A_478 = arith.constant 16 : index
        %get3A_479 = tpu.vector_load %arg6[%get3A_476, %get3A_477, %get3A_478] {strides = array<i32>} : memref<4x200x128xf32, #tpu.memory_space<vmem>>, vector<1x1x16xf32>,
        %get3A_480 = vector.shape_cast %get3A_479 : vector<1x1x16xf32> to vector<16xf32>
        %mul3A_481 = arith.constant 4 : i32
        %mul3A_482 = arith.muli %mul3A_481, %scan3A_423 : i32
        %add3A_483 = arith.constant 1 : i32
        %add3A_484 = arith.addi %mul3A_482, %add3A_483 : i32
        %get3A_485 = arith.constant 1 : i32
        %get3A_486 = arith.index_cast %get3A_485 : i32 to index
        %get3A_487 = arith.index_cast %add3A_484 : i32 to index
        %get3A_488 = arith.constant 16 : index
        %get3A_489 = tpu.vector_load %arg6[%get3A_486, %get3A_487, %get3A_488] {strides = array<i32>} : memref<4x200x128xf32, #tpu.memory_space<vmem>>, vector<1x1x16xf32>,
        %get3A_490 = vector.shape_cast %get3A_489 : vector<1x1x16xf32> to vector<16xf32>
        %add3A_491 = arith.addf %get3A_480, %get3A_490 : vector<16xf32>
        %mul3A_492 = arith.constant 4 : i32
        %mul3A_493 = arith.muli %mul3A_492, %scan3A_423 : i32
        %add3A_494 = arith.constant 2 : i32
        %add3A_495 = arith.addi %mul3A_493, %add3A_494 : i32
        %get3A_496 = arith.constant 1 : i32
        %get3A_497 = arith.index_cast %get3A_496 : i32 to index
        %get3A_498 = arith.index_cast %add3A_495 : i32 to index
        %get3A_499 = arith.constant 16 : index
        %get3A_500 = tpu.vector_load %arg6[%get3A_497, %get3A_498, %get3A_499] {strides = array<i32>} : memref<4x200x128xf32, #tpu.memory_space<vmem>>, vector<1x1x16xf32>,
        %get3A_501 = vector.shape_cast %get3A_500 : vector<1x1x16xf32> to vector<16xf32>
        %mul3A_502 = arith.constant 4 : i32
        %mul3A_503 = arith.muli %mul3A_502, %scan3A_423 : i32
        %add3A_504 = arith.constant 3 : i32
        %add3A_505 = arith.addi %mul3A_503, %add3A_504 : i32
        %get3A_506 = arith.constant 1 : i32
        %get3A_507 = arith.index_cast %get3A_506 : i32 to index
        %get3A_508 = arith.index_cast %add3A_505 : i32 to index
        %get3A_509 = arith.constant 16 : index
        %get3A_510 = tpu.vector_load %arg6[%get3A_507, %get3A_508, %get3A_509] {strides = array<i32>} : memref<4x200x128xf32, #tpu.memory_space<vmem>>, vector<1x1x16xf32>,
        %get3A_511 = vector.shape_cast %get3A_510 : vector<1x1x16xf32> to vector<16xf32>
        %add3A_512 = arith.addf %get3A_501, %get3A_511 : vector<16xf32>
        %add3A_513 = arith.addf %add3A_491, %add3A_512 : vector<16xf32>
        %add3A_514 = arith.addf %scan3A_425, %add3A_513 : vector<16xf32>
        %mul3A_515 = arith.constant 4 : i32
        %mul3A_516 = arith.muli %mul3A_515, %scan3A_423 : i32
        %get3A_517 = arith.constant 1 : i32
        %get3A_518 = arith.index_cast %get3A_517 : i32 to index
        %get3A_519 = arith.index_cast %mul3A_516 : i32 to index
        %get3A_520 = arith.constant 32 : index
        %get3A_521 = tpu.vector_load %arg6[%get3A_518, %get3A_519, %get3A_520] {strides = array<i32>} : memref<4x200x128xf32, #tpu.memory_space<vmem>>, vector<1x1x16xf32>,
        %get3A_522 = vector.shape_cast %get3A_521 : vector<1x1x16xf32> to vector<16xf32>
        %mul3A_523 = arith.constant 4 : i32
        %mul3A_524 = arith.muli %mul3A_523, %scan3A_423 : i32
        %add3A_525 = arith.constant 1 : i32
        %add3A_526 = arith.addi %mul3A_524, %add3A_525 : i32
        %get3A_527 = arith.constant 1 : i32
        %get3A_528 = arith.index_cast %get3A_527 : i32 to index
        %get3A_529 = arith.index_cast %add3A_526 : i32 to index
        %get3A_530 = arith.constant 32 : index
        %get3A_531 = tpu.vector_load %arg6[%get3A_528, %get3A_529, %get3A_530] {strides = array<i32>} : memref<4x200x128xf32, #tpu.memory_space<vmem>>, vector<1x1x16xf32>,
        %get3A_532 = vector.shape_cast %get3A_531 : vector<1x1x16xf32> to vector<16xf32>
        %add3A_533 = arith.addf %get3A_522, %get3A_532 : vector<16xf32>
        %mul3A_534 = arith.constant 4 : i32
        %mul3A_535 = arith.muli %mul3A_534, %scan3A_423 : i32
        %add3A_536 = arith.constant 2 : i32
        %add3A_537 = arith.addi %mul3A_535, %add3A_536 : i32
        %get3A_538 = arith.constant 1 : i32
        %get3A_539 = arith.index_cast %get3A_538 : i32 to index
        %get3A_540 = arith.index_cast %add3A_537 : i32 to index
        %get3A_541 = arith.constant 32 : index
        %get3A_542 = tpu.vector_load %arg6[%get3A_539, %get3A_540, %get3A_541] {strides = array<i32>} : memref<4x200x128xf32, #tpu.memory_space<vmem>>, vector<1x1x16xf32>,
        %get3A_543 = vector.shape_cast %get3A_542 : vector<1x1x16xf32> to vector<16xf32>
        %mul3A_544 = arith.constant 4 : i32
        %mul3A_545 = arith.muli %mul3A_544, %scan3A_423 : i32
        %add3A_546 = arith.constant 3 : i32
        %add3A_547 = arith.addi %mul3A_545, %add3A_546 : i32
        %get3A_548 = arith.constant 1 : i32
        %get3A_549 = arith.index_cast %get3A_548 : i32 to index
        %get3A_550 = arith.index_cast %add3A_547 : i32 to index
        %get3A_551 = arith.constant 32 : index
        %get3A_552 = tpu.vector_load %arg6[%get3A_549, %get3A_550, %get3A_551] {strides = array<i32>} : memref<4x200x128xf32, #tpu.memory_space<vmem>>, vector<1x1x16xf32>,
        %get3A_553 = vector.shape_cast %get3A_552 : vector<1x1x16xf32> to vector<16xf32>
        %add3A_554 = arith.addf %get3A_543, %get3A_553 : vector<16xf32>
        %add3A_555 = arith.addf %add3A_533, %add3A_554 : vector<16xf32>
        %add3A_556 = arith.addf %scan3A_426, %add3A_555 : vector<16xf32>
        %mul3A_557 = arith.constant 4 : i32
        %mul3A_558 = arith.muli %mul3A_557, %scan3A_423 : i32
        %get3A_559 = arith.constant 1 : i32
        %get3A_560 = arith.index_cast %get3A_559 : i32 to index
        %get3A_561 = arith.index_cast %mul3A_558 : i32 to index
        %get3A_562 = arith.constant 48 : index
        %get3A_563 = tpu.vector_load %arg6[%get3A_560, %get3A_561, %get3A_562] {strides = array<i32>} : memref<4x200x128xf32, #tpu.memory_space<vmem>>, vector<1x1x16xf32>,
        %get3A_564 = vector.shape_cast %get3A_563 : vector<1x1x16xf32> to vector<16xf32>
        %mul3A_565 = arith.constant 4 : i32
        %mul3A_566 = arith.muli %mul3A_565, %scan3A_423 : i32
        %add3A_567 = arith.constant 1 : i32
        %add3A_568 = arith.addi %mul3A_566, %add3A_567 : i32
        %get3A_569 = arith.constant 1 : i32
        %get3A_570 = arith.index_cast %get3A_569 : i32 to index
        %get3A_571 = arith.index_cast %add3A_568 : i32 to index
        %get3A_572 = arith.constant 48 : index
        %get3A_573 = tpu.vector_load %arg6[%get3A_570, %get3A_571, %get3A_572] {strides = array<i32>} : memref<4x200x128xf32, #tpu.memory_space<vmem>>, vector<1x1x16xf32>,
        %get3A_574 = vector.shape_cast %get3A_573 : vector<1x1x16xf32> to vector<16xf32>
        %add3A_575 = arith.addf %get3A_564, %get3A_574 : vector<16xf32>
        %mul3A_576 = arith.constant 4 : i32
        %mul3A_577 = arith.muli %mul3A_576, %scan3A_423 : i32
        %add3A_578 = arith.constant 2 : i32
        %add3A_579 = arith.addi %mul3A_577, %add3A_578 : i32
        %get3A_580 = arith.constant 1 : i32
        %get3A_581 = arith.index_cast %get3A_580 : i32 to index
        %get3A_582 = arith.index_cast %add3A_579 : i32 to index
        %get3A_583 = arith.constant 48 : index
        %get3A_584 = tpu.vector_load %arg6[%get3A_581, %get3A_582, %get3A_583] {strides = array<i32>} : memref<4x200x128xf32, #tpu.memory_space<vmem>>, vector<1x1x16xf32>,
        %get3A_585 = vector.shape_cast %get3A_584 : vector<1x1x16xf32> to vector<16xf32>
        %mul3A_586 = arith.constant 4 : i32
        %mul3A_587 = arith.muli %mul3A_586, %scan3A_423 : i32
        %add3A_588 = arith.constant 3 : i32
        %add3A_589 = arith.addi %mul3A_587, %add3A_588 : i32
        %get3A_590 = arith.constant 1 : i32
        %get3A_591 = arith.index_cast %get3A_590 : i32 to index
        %get3A_592 = arith.index_cast %add3A_589 : i32 to index
        %get3A_593 = arith.constant 48 : index
        %get3A_594 = tpu.vector_load %arg6[%get3A_591, %get3A_592, %get3A_593] {strides = array<i32>} : memref<4x200x128xf32, #tpu.memory_space<vmem>>, vector<1x1x16xf32>,
        %get3A_595 = vector.shape_cast %get3A_594 : vector<1x1x16xf32> to vector<16xf32>
        %add3A_596 = arith.addf %get3A_585, %get3A_595 : vector<16xf32>
        %add3A_597 = arith.addf %add3A_575, %add3A_596 : vector<16xf32>
        %add3A_598 = arith.addf %scan3A_427, %add3A_597 : vector<16xf32>
        %mul3A_599 = arith.constant 4 : i32
        %mul3A_600 = arith.muli %mul3A_599, %scan3A_423 : i32
        %get3A_601 = arith.constant 1 : i32
        %get3A_602 = arith.index_cast %get3A_601 : i32 to index
        %get3A_603 = arith.index_cast %mul3A_600 : i32 to index
        %get3A_604 = arith.constant 64 : index
        %get3A_605 = tpu.vector_load %arg6[%get3A_602, %get3A_603, %get3A_604] {strides = array<i32>} : memref<4x200x128xf32, #tpu.memory_space<vmem>>, vector<1x1x16xf32>,
        %get3A_606 = vector.shape_cast %get3A_605 : vector<1x1x16xf32> to vector<16xf32>
        %mul3A_607 = arith.constant 4 : i32
        %mul3A_608 = arith.muli %mul3A_607, %scan3A_423 : i32
        %add3A_609 = arith.constant 1 : i32
        %add3A_610 = arith.addi %mul3A_608, %add3A_609 : i32
        %get3A_611 = arith.constant 1 : i32
        %get3A_612 = arith.index_cast %get3A_611 : i32 to index
        %get3A_613 = arith.index_cast %add3A_610 : i32 to index
        %get3A_614 = arith.constant 64 : index
        %get3A_615 = tpu.vector_load %arg6[%get3A_612, %get3A_613, %get3A_614] {strides = array<i32>} : memref<4x200x128xf32, #tpu.memory_space<vmem>>, vector<1x1x16xf32>,
        %get3A_616 = vector.shape_cast %get3A_615 : vector<1x1x16xf32> to vector<16xf32>
        %add3A_617 = arith.addf %get3A_606, %get3A_616 : vector<16xf32>
        %mul3A_618 = arith.constant 4 : i32
        %mul3A_619 = arith.muli %mul3A_618, %scan3A_423 : i32
        %add3A_620 = arith.constant 2 : i32
        %add3A_621 = arith.addi %mul3A_619, %add3A_620 : i32
        %get3A_622 = arith.constant 1 : i32
        %get3A_623 = arith.index_cast %get3A_622 : i32 to index
        %get3A_624 = arith.index_cast %add3A_621 : i32 to index
        %get3A_625 = arith.constant 64 : index
        %get3A_626 = tpu.vector_load %arg6[%get3A_623, %get3A_624, %get3A_625] {strides = array<i32>} : memref<4x200x128xf32, #tpu.memory_space<vmem>>, vector<1x1x16xf32>,
        %get3A_627 = vector.shape_cast %get3A_626 : vector<1x1x16xf32> to vector<16xf32>
        %mul3A_628 = arith.constant 4 : i32
        %mul3A_629 = arith.muli %mul3A_628, %scan3A_423 : i32
        %add3A_630 = arith.constant 3 : i32
        %add3A_631 = arith.addi %mul3A_629, %add3A_630 : i32
        %get3A_632 = arith.constant 1 : i32
        %get3A_633 = arith.index_cast %get3A_632 : i32 to index
        %get3A_634 = arith.index_cast %add3A_631 : i32 to index
        %get3A_635 = arith.constant 64 : index
        %get3A_636 = tpu.vector_load %arg6[%get3A_633, %get3A_634, %get3A_635] {strides = array<i32>} : memref<4x200x128xf32, #tpu.memory_space<vmem>>, vector<1x1x16xf32>,
        %get3A_637 = vector.shape_cast %get3A_636 : vector<1x1x16xf32> to vector<16xf32>
        %add3A_638 = arith.addf %get3A_627, %get3A_637 : vector<16xf32>
        %add3A_639 = arith.addf %add3A_617, %add3A_638 : vector<16xf32>
        %add3A_640 = arith.addf %scan3A_428, %add3A_639 : vector<16xf32>
        %mul3A_641 = arith.constant 4 : i32
        %mul3A_642 = arith.muli %mul3A_641, %scan3A_423 : i32
        %get3A_643 = arith.constant 1 : i32
        %get3A_644 = arith.index_cast %get3A_643 : i32 to index
        %get3A_645 = arith.index_cast %mul3A_642 : i32 to index
        %get3A_646 = arith.constant 80 : index
        %get3A_647 = tpu.vector_load %arg6[%get3A_644, %get3A_645, %get3A_646] {strides = array<i32>} : memref<4x200x128xf32, #tpu.memory_space<vmem>>, vector<1x1x16xf32>,
        %get3A_648 = vector.shape_cast %get3A_647 : vector<1x1x16xf32> to vector<16xf32>
        %mul3A_649 = arith.constant 4 : i32
        %mul3A_650 = arith.muli %mul3A_649, %scan3A_423 : i32
        %add3A_651 = arith.constant 1 : i32
        %add3A_652 = arith.addi %mul3A_650, %add3A_651 : i32
        %get3A_653 = arith.constant 1 : i32
        %get3A_654 = arith.index_cast %get3A_653 : i32 to index
        %get3A_655 = arith.index_cast %add3A_652 : i32 to index
        %get3A_656 = arith.constant 80 : index
        %get3A_657 = tpu.vector_load %arg6[%get3A_654, %get3A_655, %get3A_656] {strides = array<i32>} : memref<4x200x128xf32, #tpu.memory_space<vmem>>, vector<1x1x16xf32>,
        %get3A_658 = vector.shape_cast %get3A_657 : vector<1x1x16xf32> to vector<16xf32>
        %add3A_659 = arith.addf %get3A_648, %get3A_658 : vector<16xf32>
        %mul3A_660 = arith.constant 4 : i32
        %mul3A_661 = arith.muli %mul3A_660, %scan3A_423 : i32
        %add3A_662 = arith.constant 2 : i32
        %add3A_663 = arith.addi %mul3A_661, %add3A_662 : i32
        %get3A_664 = arith.constant 1 : i32
        %get3A_665 = arith.index_cast %get3A_664 : i32 to index
        %get3A_666 = arith.index_cast %add3A_663 : i32 to index
        %get3A_667 = arith.constant 80 : index
        %get3A_668 = tpu.vector_load %arg6[%get3A_665, %get3A_666, %get3A_667] {strides = array<i32>} : memref<4x200x128xf32, #tpu.memory_space<vmem>>, vector<1x1x16xf32>,
        %get3A_669 = vector.shape_cast %get3A_668 : vector<1x1x16xf32> to vector<16xf32>
        %mul3A_670 = arith.constant 4 : i32
        %mul3A_671 = arith.muli %mul3A_670, %scan3A_423 : i32
        %add3A_672 = arith.constant 3 : i32
        %add3A_673 = arith.addi %mul3A_671, %add3A_672 : i32
        %get3A_674 = arith.constant 1 : i32
        %get3A_675 = arith.index_cast %get3A_674 : i32 to index
        %get3A_676 = arith.index_cast %add3A_673 : i32 to index
        %get3A_677 = arith.constant 80 : index
        %get3A_678 = tpu.vector_load %arg6[%get3A_675, %get3A_676, %get3A_677] {strides = array<i32>} : memref<4x200x128xf32, #tpu.memory_space<vmem>>, vector<1x1x16xf32>,
        %get3A_679 = vector.shape_cast %get3A_678 : vector<1x1x16xf32> to vector<16xf32>
        %add3A_680 = arith.addf %get3A_669, %get3A_679 : vector<16xf32>
        %add3A_681 = arith.addf %add3A_659, %add3A_680 : vector<16xf32>
        %add3A_682 = arith.addf %scan3A_429, %add3A_681 : vector<16xf32>
        %mul3A_683 = arith.constant 4 : i32
        %mul3A_684 = arith.muli %mul3A_683, %scan3A_423 : i32
        %get3A_685 = arith.constant 1 : i32
        %get3A_686 = arith.index_cast %get3A_685 : i32 to index
        %get3A_687 = arith.index_cast %mul3A_684 : i32 to index
        %get3A_688 = arith.constant 96 : index
        %get3A_689 = tpu.vector_load %arg6[%get3A_686, %get3A_687, %get3A_688] {strides = array<i32>} : memref<4x200x128xf32, #tpu.memory_space<vmem>>, vector<1x1x16xf32>,
        %get3A_690 = vector.shape_cast %get3A_689 : vector<1x1x16xf32> to vector<16xf32>
        %mul3A_691 = arith.constant 4 : i32
        %mul3A_692 = arith.muli %mul3A_691, %scan3A_423 : i32
        %add3A_693 = arith.constant 1 : i32
        %add3A_694 = arith.addi %mul3A_692, %add3A_693 : i32
        %get3A_695 = arith.constant 1 : i32
        %get3A_696 = arith.index_cast %get3A_695 : i32 to index
        %get3A_697 = arith.index_cast %add3A_694 : i32 to index
        %get3A_698 = arith.constant 96 : index
        %get3A_699 = tpu.vector_load %arg6[%get3A_696, %get3A_697, %get3A_698] {strides = array<i32>} : memref<4x200x128xf32, #tpu.memory_space<vmem>>, vector<1x1x16xf32>,
        %get3A_700 = vector.shape_cast %get3A_699 : vector<1x1x16xf32> to vector<16xf32>
        %add3A_701 = arith.addf %get3A_690, %get3A_700 : vector<16xf32>
        %mul3A_702 = arith.constant 4 : i32
        %mul3A_703 = arith.muli %mul3A_702, %scan3A_423 : i32
        %add3A_704 = arith.constant 2 : i32
        %add3A_705 = arith.addi %mul3A_703, %add3A_704 : i32
        %get3A_706 = arith.constant 1 : i32
        %get3A_707 = arith.index_cast %get3A_706 : i32 to index
        %get3A_708 = arith.index_cast %add3A_705 : i32 to index
        %get3A_709 = arith.constant 96 : index
        %get3A_710 = tpu.vector_load %arg6[%get3A_707, %get3A_708, %get3A_709] {strides = array<i32>} : memref<4x200x128xf32, #tpu.memory_space<vmem>>, vector<1x1x16xf32>,
        %get3A_711 = vector.shape_cast %get3A_710 : vector<1x1x16xf32> to vector<16xf32>
        %mul3A_712 = arith.constant 4 : i32
        %mul3A_713 = arith.muli %mul3A_712, %scan3A_423 : i32
        %add3A_714 = arith.constant 3 : i32
        %add3A_715 = arith.addi %mul3A_713, %add3A_714 : i32
        %get3A_716 = arith.constant 1 : i32
        %get3A_717 = arith.index_cast %get3A_716 : i32 to index
        %get3A_718 = arith.index_cast %add3A_715 : i32 to index
        %get3A_719 = arith.constant 96 : index
        %get3A_720 = tpu.vector_load %arg6[%get3A_717, %get3A_718, %get3A_719] {strides = array<i32>} : memref<4x200x128xf32, #tpu.memory_space<vmem>>, vector<1x1x16xf32>,
        %get3A_721 = vector.shape_cast %get3A_720 : vector<1x1x16xf32> to vector<16xf32>
        %add3A_722 = arith.addf %get3A_711, %get3A_721 : vector<16xf32>
        %add3A_723 = arith.addf %add3A_701, %add3A_722 : vector<16xf32>
        %add3A_724 = arith.addf %scan3A_430, %add3A_723 : vector<16xf32>
        %mul3A_725 = arith.constant 4 : i32
        %mul3A_726 = arith.muli %mul3A_725, %scan3A_423 : i32
        %get3A_727 = arith.constant 1 : i32
        %get3A_728 = arith.index_cast %get3A_727 : i32 to index
        %get3A_729 = arith.index_cast %mul3A_726 : i32 to index
        %get3A_730 = arith.constant 112 : index
        %get3A_731 = tpu.vector_load %arg6[%get3A_728, %get3A_729, %get3A_730] {strides = array<i32>} : memref<4x200x128xf32, #tpu.memory_space<vmem>>, vector<1x1x16xf32>,
        %get3A_732 = vector.shape_cast %get3A_731 : vector<1x1x16xf32> to vector<16xf32>
        %mul3A_733 = arith.constant 4 : i32
        %mul3A_734 = arith.muli %mul3A_733, %scan3A_423 : i32
        %add3A_735 = arith.constant 1 : i32
        %add3A_736 = arith.addi %mul3A_734, %add3A_735 : i32
        %get3A_737 = arith.constant 1 : i32
        %get3A_738 = arith.index_cast %get3A_737 : i32 to index
        %get3A_739 = arith.index_cast %add3A_736 : i32 to index
        %get3A_740 = arith.constant 112 : index
        %get3A_741 = tpu.vector_load %arg6[%get3A_738, %get3A_739, %get3A_740] {strides = array<i32>} : memref<4x200x128xf32, #tpu.memory_space<vmem>>, vector<1x1x16xf32>,
        %get3A_742 = vector.shape_cast %get3A_741 : vector<1x1x16xf32> to vector<16xf32>
        %add3A_743 = arith.addf %get3A_732, %get3A_742 : vector<16xf32>
        %mul3A_744 = arith.constant 4 : i32
        %mul3A_745 = arith.muli %mul3A_744, %scan3A_423 : i32
        %add3A_746 = arith.constant 2 : i32
        %add3A_747 = arith.addi %mul3A_745, %add3A_746 : i32
        %get3A_748 = arith.constant 1 : i32
        %get3A_749 = arith.index_cast %get3A_748 : i32 to index
        %get3A_750 = arith.index_cast %add3A_747 : i32 to index
        %get3A_751 = arith.constant 112 : index
        %get3A_752 = tpu.vector_load %arg6[%get3A_749, %get3A_750, %get3A_751] {strides = array<i32>} : memref<4x200x128xf32, #tpu.memory_space<vmem>>, vector<1x1x16xf32>,
        %get3A_753 = vector.shape_cast %get3A_752 : vector<1x1x16xf32> to vector<16xf32>
        %mul3A_754 = arith.constant 4 : i32
        %mul3A_755 = arith.muli %mul3A_754, %scan3A_423 : i32
        %add3A_756 = arith.constant 3 : i32
        %add3A_757 = arith.addi %mul3A_755, %add3A_756 : i32
        %get3A_758 = arith.constant 1 : i32
        %get3A_759 = arith.index_cast %get3A_758 : i32 to index
        %get3A_760 = arith.index_cast %add3A_757 : i32 to index
        %get3A_761 = arith.constant 112 : index
        %get3A_762 = tpu.vector_load %arg6[%get3A_759, %get3A_760, %get3A_761] {strides = array<i32>} : memref<4x200x128xf32, #tpu.memory_space<vmem>>, vector<1x1x16xf32>,
        %get3A_763 = vector.shape_cast %get3A_762 : vector<1x1x16xf32> to vector<16xf32>
        %add3A_764 = arith.addf %get3A_753, %get3A_763 : vector<16xf32>
        %add3A_765 = arith.addf %add3A_743, %add3A_764 : vector<16xf32>
        %add3A_766 = arith.addf %scan3A_431, %add3A_765 : vector<16xf32>
        scf.yield %add3A_472, %add3A_514, %add3A_556, %add3A_598, %add3A_640, %add3A_682, %add3A_724, %add3A_766 : vector<16xf32>, vector<16xf32>, vector<16xf32>, vector<16xf32>, vector<16xf32>, vector<16xf32>, vector<16xf32>, vector<16xf32>
      }
      %scan3A_202 = arith.constant 50 : i32
      %swap3A_203 = arith.index_cast %add3A_156 : i32 to index
      %swap3A_204 = arith.constant 0 : index
      %swap3A_205 = tpu.vector_load %arg7[%swap3A_203, %swap3A_204] {strides = array<i32>} : memref<32x128xf32, #tpu.memory_space<vmem>>, vector<1x16xf32>,
      %swap3A_206 = vector.shape_cast %swap3A_205 : vector<1x16xf32> to vector<16xf32>
      %swap3A_207 = vector.shape_cast %scan3A_201#0 : vector<16xf32> to vector<1x16xf32>
      tpu.vector_store %arg7[%swap3A_203, %swap3A_204], %swap3A_207 {strides = array<i32>} : memref<32x128xf32, #tpu.memory_space<vmem>>, vector<1x16xf32>,
      %swap3A_208 = arith.index_cast %add3A_156 : i32 to index
      %swap3A_209 = arith.constant 16 : index
      %swap3A_210 = tpu.vector_load %arg7[%swap3A_208, %swap3A_209] {strides = array<i32>} : memref<32x128xf32, #tpu.memory_space<vmem>>, vector<1x16xf32>,
      %swap3A_211 = vector.shape_cast %swap3A_210 : vector<1x16xf32> to vector<16xf32>
      %swap3A_212 = vector.shape_cast %scan3A_201#1 : vector<16xf32> to vector<1x16xf32>
      tpu.vector_store %arg7[%swap3A_208, %swap3A_209], %swap3A_212 {strides = array<i32>} : memref<32x128xf32, #tpu.memory_space<vmem>>, vector<1x16xf32>,
      %swap3A_213 = arith.index_cast %add3A_156 : i32 to index
      %swap3A_214 = arith.constant 32 : index
      %swap3A_215 = tpu.vector_load %arg7[%swap3A_213, %swap3A_214] {strides = array<i32>} : memref<32x128xf32, #tpu.memory_space<vmem>>, vector<1x16xf32>,
      %swap3A_216 = vector.shape_cast %swap3A_215 : vector<1x16xf32> to vector<16xf32>
      %swap3A_217 = vector.shape_cast %scan3A_201#2 : vector<16xf32> to vector<1x16xf32>
      tpu.vector_store %arg7[%swap3A_213, %swap3A_214], %swap3A_217 {strides = array<i32>} : memref<32x128xf32, #tpu.memory_space<vmem>>, vector<1x16xf32>,
      %swap3A_218 = arith.index_cast %add3A_156 : i32 to index
      %swap3A_219 = arith.constant 48 : index
      %swap3A_220 = tpu.vector_load %arg7[%swap3A_218, %swap3A_219] {strides = array<i32>} : memref<32x128xf32, #tpu.memory_space<vmem>>, vector<1x16xf32>,
      %swap3A_221 = vector.shape_cast %swap3A_220 : vector<1x16xf32> to vector<16xf32>
      %swap3A_222 = vector.shape_cast %scan3A_201#3 : vector<16xf32> to vector<1x16xf32>
      tpu.vector_store %arg7[%swap3A_218, %swap3A_219], %swap3A_222 {strides = array<i32>} : memref<32x128xf32, #tpu.memory_space<vmem>>, vector<1x16xf32>,
      %swap3A_223 = arith.index_cast %add3A_156 : i32 to index
      %swap3A_224 = arith.constant 64 : index
      %swap3A_225 = tpu.vector_load %arg7[%swap3A_223, %swap3A_224] {strides = array<i32>} : memref<32x128xf32, #tpu.memory_space<vmem>>, vector<1x16xf32>,
      %swap3A_226 = vector.shape_cast %swap3A_225 : vector<1x16xf32> to vector<16xf32>
      %swap3A_227 = vector.shape_cast %scan3A_201#4 : vector<16xf32> to vector<1x16xf32>
      tpu.vector_store %arg7[%swap3A_223, %swap3A_224], %swap3A_227 {strides = array<i32>} : memref<32x128xf32, #tpu.memory_space<vmem>>, vector<1x16xf32>,
      %swap3A_228 = arith.index_cast %add3A_156 : i32 to index
      %swap3A_229 = arith.constant 80 : index
      %swap3A_230 = tpu.vector_load %arg7[%swap3A_228, %swap3A_229] {strides = array<i32>} : memref<32x128xf32, #tpu.memory_space<vmem>>, vector<1x16xf32>,
      %swap3A_231 = vector.shape_cast %swap3A_230 : vector<1x16xf32> to vector<16xf32>
      %swap3A_232 = vector.shape_cast %scan3A_201#5 : vector<16xf32> to vector<1x16xf32>
      tpu.vector_store %arg7[%swap3A_228, %swap3A_229], %swap3A_232 {strides = array<i32>} : memref<32x128xf32, #tpu.memory_space<vmem>>, vector<1x16xf32>,
      %swap3A_233 = arith.index_cast %add3A_156 : i32 to index
      %swap3A_234 = arith.constant 96 : index
      %swap3A_235 = tpu.vector_load %arg7[%swap3A_233, %swap3A_234] {strides = array<i32>} : memref<32x128xf32, #tpu.memory_space<vmem>>, vector<1x16xf32>,
      %swap3A_236 = vector.shape_cast %swap3A_235 : vector<1x16xf32> to vector<16xf32>
      %swap3A_237 = vector.shape_cast %scan3A_201#6 : vector<16xf32> to vector<1x16xf32>
      tpu.vector_store %arg7[%swap3A_233, %swap3A_234], %swap3A_237 {strides = array<i32>} : memref<32x128xf32, #tpu.memory_space<vmem>>, vector<1x16xf32>,
      %swap3A_238 = arith.index_cast %add3A_156 : i32 to index
      %swap3A_239 = arith.constant 112 : index
      %swap3A_240 = tpu.vector_load %arg7[%swap3A_238, %swap3A_239] {strides = array<i32>} : memref<32x128xf32, #tpu.memory_space<vmem>>, vector<1x16xf32>,
      %swap3A_241 = vector.shape_cast %swap3A_240 : vector<1x16xf32> to vector<16xf32>
      %swap3A_242 = vector.shape_cast %scan3A_201#7 : vector<16xf32> to vector<1x16xf32>
      tpu.vector_store %arg7[%swap3A_238, %swap3A_239], %swap3A_242 {strides = array<i32>} : memref<32x128xf32, #tpu.memory_space<vmem>>, vector<1x16xf32>,
      %mul3A_243 = arith.constant 4 : i32
      %mul3A_244 = arith.muli %scan3A_69, %mul3A_243 : i32
      %add3A_245 = arith.constant 2 : i32
      %add3A_246 = arith.addi %mul3A_244, %add3A_245 : i32
      %add3A_247 = arith.constant 4 : i32
      %add3A_248 = arith.addi %add3A_246, %add3A_247 : i32
      %sub3A_249 = arith.constant 1 : i32
      %sub3A_250 = arith.subi %add3A_248, %sub3A_249 : i32
      %lt3A_251 = arith.constant 32 : i32
      %lt3A_252 = arith.cmpi slt, %sub3A_250, %lt3A_251 : i32
      %convert_element_type3A_253 = arith.extui %lt3A_252 : i1 to i32
      %cond3A_254 = arith.constant 0 : i32
      %cond3A_255 = arith.cmpi ne, %convert_element_type3A_253, %cond3A_254 : i32
      scf.if %cond3A_255 {
        %mul3A_423 = arith.constant 200 : i32
        %mul3A_424 = arith.muli %sub3A_250, %mul3A_423 : i32
        %dma_start3A_425 = arith.constant 1 : i32
        %dma_start3A_426 = arith.constant 0 : i32
        %dma_start3A_427 = arith.constant 0 : i32
        %dma_start3A_428 = tpu.memref_slice %arg6[%dma_start3A_425, %dma_start3A_426, %dma_start3A_427] : memref<4x200x128xf32, #tpu.memory_space<vmem>> -> memref<1x104x128xf32, #tpu.memory_space<vmem>>
        %dma_start3A_429 = tpu.memref_squeeze %dma_start3A_428 : memref<1x104x128xf32, #tpu.memory_space<vmem>> -> memref<104x128xf32, #tpu.memory_space<vmem>>
        %dma_start3A_430 = tpu.memref_slice %arg5[%mul3A_424] : memref<6400xi32, #tpu.memory_space<vmem>> -> memref<104xi32, #tpu.memory_space<vmem>>
        %dma_start3A_431 = arith.constant 0 : i32
        %dma_start3A_432 = arith.constant 0 : i32
        %dma_start3A_433 = tpu.memref_slice %arg3[%dma_start3A_431, %dma_start3A_432] : memref<100000x128xf32, #tpu.memory_space<hbm>> -> memref<100000x128xf32, #tpu.memory_space<hbm>>
        tpu.enqueue_indirect_dma source(%dma_start3A_433 : memref<100000x128xf32, #tpu.memory_space<hbm>>) target(%dma_start3A_429 : memref<104x128xf32, #tpu.memory_space<vmem>>) offsets(%dma_start3A_430 : memref<104xi32, #tpu.memory_space<vmem>>) semaphore(%arg9 : memref<!tpu.dma_semaphore, #tpu.memory_space<semaphore_mem>>)
        %mul3A_434 = arith.constant 200 : i32
        %mul3A_435 = arith.muli %sub3A_250, %mul3A_434 : i32
        %add3A_436 = arith.constant 104 : i32
        %add3A_437 = arith.addi %mul3A_435, %add3A_436 : i32
        %dma_start3A_438 = arith.constant 1 : i32
        %dma_start3A_439 = arith.constant 104 : i32
        %dma_start3A_440 = arith.constant 0 : i32
        %dma_start3A_441 = tpu.memref_slice %arg6[%dma_start3A_438, %dma_start3A_439, %dma_start3A_440] : memref<4x200x128xf32, #tpu.memory_space<vmem>> -> memref<1x96x128xf32, #tpu.memory_space<vmem>>
        %dma_start3A_442 = tpu.memref_squeeze %dma_start3A_441 : memref<1x96x128xf32, #tpu.memory_space<vmem>> -> memref<96x128xf32, #tpu.memory_space<vmem>>
        %dma_start3A_443 = tpu.memref_slice %arg5[%add3A_437] : memref<6400xi32, #tpu.memory_space<vmem>> -> memref<96xi32, #tpu.memory_space<vmem>>
        %dma_start3A_444 = arith.constant 0 : i32
        %dma_start3A_445 = arith.constant 0 : i32
        %dma_start3A_446 = tpu.memref_slice %arg3[%dma_start3A_444, %dma_start3A_445] : memref<100000x128xf32, #tpu.memory_space<hbm>> -> memref<100000x128xf32, #tpu.memory_space<hbm>>
        tpu.enqueue_indirect_dma source(%dma_start3A_446 : memref<100000x128xf32, #tpu.memory_space<hbm>>) target(%dma_start3A_442 : memref<96x128xf32, #tpu.memory_space<vmem>>) offsets(%dma_start3A_443 : memref<96xi32, #tpu.memory_space<vmem>>) semaphore(%arg9 : memref<!tpu.dma_semaphore, #tpu.memory_space<semaphore_mem>>)
      } else {
      }
      %dma_wait3A_256 = arith.constant 2 : i32
      %dma_wait3A_257 = arith.constant 0 : i32
      %dma_wait3A_258 = arith.constant 0 : i32
      %dma_wait3A_259 = tpu.memref_slice %arg6[%dma_wait3A_256, %dma_wait3A_257, %dma_wait3A_258] : memref<4x200x128xf32, #tpu.memory_space<vmem>> -> memref<1x200x128xf32, #tpu.memory_space<vmem>>
      %dma_wait3A_260 = tpu.memref_squeeze %dma_wait3A_259 : memref<1x200x128xf32, #tpu.memory_space<vmem>> -> memref<200x128xf32, #tpu.memory_space<vmem>>
      %dma_wait3A_261 = arith.constant 0 : i32
      %dma_wait3A_262 = arith.constant 0 : i32
      %dma_wait3A_263 = tpu.memref_slice %arg3[%dma_wait3A_261, %dma_wait3A_262] : memref<100000x128xf32, #tpu.memory_space<hbm>> -> memref<200x128xf32, #tpu.memory_space<hbm>>
      %dma_wait3A_264 = arith.constant 0 : i32
      %dma_wait3A_265 = arith.constant 0 : i32
      %dma_wait3A_266 = tpu.memref_slice %arg6[%dma_wait3A_256, %dma_wait3A_264, %dma_wait3A_265] : memref<4x200x128xf32, #tpu.memory_space<vmem>> -> memref<1x200x128xf32, #tpu.memory_space<vmem>>
      %dma_wait3A_267 = tpu.memref_squeeze %dma_wait3A_266 : memref<1x200x128xf32, #tpu.memory_space<vmem>> -> memref<200x128xf32, #tpu.memory_space<vmem>>
      %dma_wait3A_268 = arith.constant 0 : i32
      %dma_wait3A_269 = arith.constant 0 : i32
      %dma_wait3A_270 = tpu.memref_slice %arg3[%dma_wait3A_268, %dma_wait3A_269] : memref<100000x128xf32, #tpu.memory_space<hbm>> -> memref<200x128xf32, #tpu.memory_space<hbm>>
      tpu.wait_dma2 semaphore(%arg10 : memref<!tpu.dma_semaphore, #tpu.memory_space<semaphore_mem>>) src(%dma_wait3A_270 : memref<200x128xf32, #tpu.memory_space<hbm>>) dst(%dma_wait3A_267 : memref<200x128xf32, #tpu.memory_space<vmem>>)
      %broadcast_in_dim3A_271 = arith.constant 0.000000e+00 : f32
      %broadcast_in_dim3A_272 = vector.broadcast %broadcast_in_dim3A_271 : f32 to vector<16xf32>
      %broadcast_in_dim3A_273 = arith.constant 0.000000e+00 : f32
      %broadcast_in_dim3A_274 = vector.broadcast %broadcast_in_dim3A_273 : f32 to vector<16xf32>
      %broadcast_in_dim3A_275 = arith.constant 0.000000e+00 : f32
      %broadcast_in_dim3A_276 = vector.broadcast %broadcast_in_dim3A_275 : f32 to vector<16xf32>
      %broadcast_in_dim3A_277 = arith.constant 0.000000e+00 : f32
      %broadcast_in_dim3A_278 = vector.broadcast %broadcast_in_dim3A_277 : f32 to vector<16xf32>
      %broadcast_in_dim3A_279 = arith.constant 0.000000e+00 : f32
      %broadcast_in_dim3A_280 = vector.broadcast %broadcast_in_dim3A_279 : f32 to vector<16xf32>
      %broadcast_in_dim3A_281 = arith.constant 0.000000e+00 : f32
      %broadcast_in_dim3A_282 = vector.broadcast %broadcast_in_dim3A_281 : f32 to vector<16xf32>
      %broadcast_in_dim3A_283 = arith.constant 0.000000e+00 : f32
      %broadcast_in_dim3A_284 = vector.broadcast %broadcast_in_dim3A_283 : f32 to vector<16xf32>
      %broadcast_in_dim3A_285 = arith.constant 0.000000e+00 : f32
      %broadcast_in_dim3A_286 = vector.broadcast %broadcast_in_dim3A_285 : f32 to vector<16xf32>
      %scan3A_287 = arith.constant 0 : i32
      %scan3A_288 = arith.constant 50 : i32
      %scan3A_289 = arith.addi %scan3A_287, %scan3A_288 : i32
      %scan3A_290 = arith.constant 1 : i32
      %scan3A_291:8 = scf.for %scan3A_423 = %scan3A_287 to %scan3A_289 step %scan3A_290 iter_args(%scan3A_424 = %broadcast_in_dim3A_272, %scan3A_425 = %broadcast_in_dim3A_274, %scan3A_426 = %broadcast_in_dim3A_276, %scan3A_427 = %broadcast_in_dim3A_278, %scan3A_428 = %broadcast_in_dim3A_280, %scan3A_429 = %broadcast_in_dim3A_282, %scan3A_430 = %broadcast_in_dim3A_284, %scan3A_431 = %broadcast_in_dim3A_286) -> (vector<16xf32>, vector<16xf32>, vector<16xf32>, vector<16xf32>, vector<16xf32>, vector<16xf32>, vector<16xf32>, vector<16xf32>)  : i32 {
        %mul3A_432 = arith.constant 4 : i32
        %mul3A_433 = arith.muli %mul3A_432, %scan3A_423 : i32
        %get3A = arith.constant 2 : i32
        %get3A_434 = arith.index_cast %get3A : i32 to index
        %get3A_435 = arith.index_cast %mul3A_433 : i32 to index
        %get3A_436 = arith.constant 0 : index
        %get3A_437 = tpu.vector_load %arg6[%get3A_434, %get3A_435, %get3A_436] {strides = array<i32>} : memref<4x200x128xf32, #tpu.memory_space<vmem>>, vector<1x1x16xf32>,
        %get3A_438 = vector.shape_cast %get3A_437 : vector<1x1x16xf32> to vector<16xf32>
        %mul3A_439 = arith.constant 4 : i32
        %mul3A_440 = arith.muli %mul3A_439, %scan3A_423 : i32
        %add3A_441 = arith.constant 1 : i32
        %add3A_442 = arith.addi %mul3A_440, %add3A_441 : i32
        %get3A_443 = arith.constant 2 : i32
        %get3A_444 = arith.index_cast %get3A_443 : i32 to index
        %get3A_445 = arith.index_cast %add3A_442 : i32 to index
        %get3A_446 = arith.constant 0 : index
        %get3A_447 = tpu.vector_load %arg6[%get3A_444, %get3A_445, %get3A_446] {strides = array<i32>} : memref<4x200x128xf32, #tpu.memory_space<vmem>>, vector<1x1x16xf32>,
        %get3A_448 = vector.shape_cast %get3A_447 : vector<1x1x16xf32> to vector<16xf32>
        %add3A_449 = arith.addf %get3A_438, %get3A_448 : vector<16xf32>
        %mul3A_450 = arith.constant 4 : i32
        %mul3A_451 = arith.muli %mul3A_450, %scan3A_423 : i32
        %add3A_452 = arith.constant 2 : i32
        %add3A_453 = arith.addi %mul3A_451, %add3A_452 : i32
        %get3A_454 = arith.constant 2 : i32
        %get3A_455 = arith.index_cast %get3A_454 : i32 to index
        %get3A_456 = arith.index_cast %add3A_453 : i32 to index
        %get3A_457 = arith.constant 0 : index
        %get3A_458 = tpu.vector_load %arg6[%get3A_455, %get3A_456, %get3A_457] {strides = array<i32>} : memref<4x200x128xf32, #tpu.memory_space<vmem>>, vector<1x1x16xf32>,
        %get3A_459 = vector.shape_cast %get3A_458 : vector<1x1x16xf32> to vector<16xf32>
        %mul3A_460 = arith.constant 4 : i32
        %mul3A_461 = arith.muli %mul3A_460, %scan3A_423 : i32
        %add3A_462 = arith.constant 3 : i32
        %add3A_463 = arith.addi %mul3A_461, %add3A_462 : i32
        %get3A_464 = arith.constant 2 : i32
        %get3A_465 = arith.index_cast %get3A_464 : i32 to index
        %get3A_466 = arith.index_cast %add3A_463 : i32 to index
        %get3A_467 = arith.constant 0 : index
        %get3A_468 = tpu.vector_load %arg6[%get3A_465, %get3A_466, %get3A_467] {strides = array<i32>} : memref<4x200x128xf32, #tpu.memory_space<vmem>>, vector<1x1x16xf32>,
        %get3A_469 = vector.shape_cast %get3A_468 : vector<1x1x16xf32> to vector<16xf32>
        %add3A_470 = arith.addf %get3A_459, %get3A_469 : vector<16xf32>
        %add3A_471 = arith.addf %add3A_449, %add3A_470 : vector<16xf32>
        %add3A_472 = arith.addf %scan3A_424, %add3A_471 : vector<16xf32>
        %mul3A_473 = arith.constant 4 : i32
        %mul3A_474 = arith.muli %mul3A_473, %scan3A_423 : i32
        %get3A_475 = arith.constant 2 : i32
        %get3A_476 = arith.index_cast %get3A_475 : i32 to index
        %get3A_477 = arith.index_cast %mul3A_474 : i32 to index
        %get3A_478 = arith.constant 16 : index
        %get3A_479 = tpu.vector_load %arg6[%get3A_476, %get3A_477, %get3A_478] {strides = array<i32>} : memref<4x200x128xf32, #tpu.memory_space<vmem>>, vector<1x1x16xf32>,
        %get3A_480 = vector.shape_cast %get3A_479 : vector<1x1x16xf32> to vector<16xf32>
        %mul3A_481 = arith.constant 4 : i32
        %mul3A_482 = arith.muli %mul3A_481, %scan3A_423 : i32
        %add3A_483 = arith.constant 1 : i32
        %add3A_484 = arith.addi %mul3A_482, %add3A_483 : i32
        %get3A_485 = arith.constant 2 : i32
        %get3A_486 = arith.index_cast %get3A_485 : i32 to index
        %get3A_487 = arith.index_cast %add3A_484 : i32 to index
        %get3A_488 = arith.constant 16 : index
        %get3A_489 = tpu.vector_load %arg6[%get3A_486, %get3A_487, %get3A_488] {strides = array<i32>} : memref<4x200x128xf32, #tpu.memory_space<vmem>>, vector<1x1x16xf32>,
        %get3A_490 = vector.shape_cast %get3A_489 : vector<1x1x16xf32> to vector<16xf32>
        %add3A_491 = arith.addf %get3A_480, %get3A_490 : vector<16xf32>
        %mul3A_492 = arith.constant 4 : i32
        %mul3A_493 = arith.muli %mul3A_492, %scan3A_423 : i32
        %add3A_494 = arith.constant 2 : i32
        %add3A_495 = arith.addi %mul3A_493, %add3A_494 : i32
        %get3A_496 = arith.constant 2 : i32
        %get3A_497 = arith.index_cast %get3A_496 : i32 to index
        %get3A_498 = arith.index_cast %add3A_495 : i32 to index
        %get3A_499 = arith.constant 16 : index
        %get3A_500 = tpu.vector_load %arg6[%get3A_497, %get3A_498, %get3A_499] {strides = array<i32>} : memref<4x200x128xf32, #tpu.memory_space<vmem>>, vector<1x1x16xf32>,
        %get3A_501 = vector.shape_cast %get3A_500 : vector<1x1x16xf32> to vector<16xf32>
        %mul3A_502 = arith.constant 4 : i32
        %mul3A_503 = arith.muli %mul3A_502, %scan3A_423 : i32
        %add3A_504 = arith.constant 3 : i32
        %add3A_505 = arith.addi %mul3A_503, %add3A_504 : i32
        %get3A_506 = arith.constant 2 : i32
        %get3A_507 = arith.index_cast %get3A_506 : i32 to index
        %get3A_508 = arith.index_cast %add3A_505 : i32 to index
        %get3A_509 = arith.constant 16 : index
        %get3A_510 = tpu.vector_load %arg6[%get3A_507, %get3A_508, %get3A_509] {strides = array<i32>} : memref<4x200x128xf32, #tpu.memory_space<vmem>>, vector<1x1x16xf32>,
        %get3A_511 = vector.shape_cast %get3A_510 : vector<1x1x16xf32> to vector<16xf32>
        %add3A_512 = arith.addf %get3A_501, %get3A_511 : vector<16xf32>
        %add3A_513 = arith.addf %add3A_491, %add3A_512 : vector<16xf32>
        %add3A_514 = arith.addf %scan3A_425, %add3A_513 : vector<16xf32>
        %mul3A_515 = arith.constant 4 : i32
        %mul3A_516 = arith.muli %mul3A_515, %scan3A_423 : i32
        %get3A_517 = arith.constant 2 : i32
        %get3A_518 = arith.index_cast %get3A_517 : i32 to index
        %get3A_519 = arith.index_cast %mul3A_516 : i32 to index
        %get3A_520 = arith.constant 32 : index
        %get3A_521 = tpu.vector_load %arg6[%get3A_518, %get3A_519, %get3A_520] {strides = array<i32>} : memref<4x200x128xf32, #tpu.memory_space<vmem>>, vector<1x1x16xf32>,
        %get3A_522 = vector.shape_cast %get3A_521 : vector<1x1x16xf32> to vector<16xf32>
        %mul3A_523 = arith.constant 4 : i32
        %mul3A_524 = arith.muli %mul3A_523, %scan3A_423 : i32
        %add3A_525 = arith.constant 1 : i32
        %add3A_526 = arith.addi %mul3A_524, %add3A_525 : i32
        %get3A_527 = arith.constant 2 : i32
        %get3A_528 = arith.index_cast %get3A_527 : i32 to index
        %get3A_529 = arith.index_cast %add3A_526 : i32 to index
        %get3A_530 = arith.constant 32 : index
        %get3A_531 = tpu.vector_load %arg6[%get3A_528, %get3A_529, %get3A_530] {strides = array<i32>} : memref<4x200x128xf32, #tpu.memory_space<vmem>>, vector<1x1x16xf32>,
        %get3A_532 = vector.shape_cast %get3A_531 : vector<1x1x16xf32> to vector<16xf32>
        %add3A_533 = arith.addf %get3A_522, %get3A_532 : vector<16xf32>
        %mul3A_534 = arith.constant 4 : i32
        %mul3A_535 = arith.muli %mul3A_534, %scan3A_423 : i32
        %add3A_536 = arith.constant 2 : i32
        %add3A_537 = arith.addi %mul3A_535, %add3A_536 : i32
        %get3A_538 = arith.constant 2 : i32
        %get3A_539 = arith.index_cast %get3A_538 : i32 to index
        %get3A_540 = arith.index_cast %add3A_537 : i32 to index
        %get3A_541 = arith.constant 32 : index
        %get3A_542 = tpu.vector_load %arg6[%get3A_539, %get3A_540, %get3A_541] {strides = array<i32>} : memref<4x200x128xf32, #tpu.memory_space<vmem>>, vector<1x1x16xf32>,
        %get3A_543 = vector.shape_cast %get3A_542 : vector<1x1x16xf32> to vector<16xf32>
        %mul3A_544 = arith.constant 4 : i32
        %mul3A_545 = arith.muli %mul3A_544, %scan3A_423 : i32
        %add3A_546 = arith.constant 3 : i32
        %add3A_547 = arith.addi %mul3A_545, %add3A_546 : i32
        %get3A_548 = arith.constant 2 : i32
        %get3A_549 = arith.index_cast %get3A_548 : i32 to index
        %get3A_550 = arith.index_cast %add3A_547 : i32 to index
        %get3A_551 = arith.constant 32 : index
        %get3A_552 = tpu.vector_load %arg6[%get3A_549, %get3A_550, %get3A_551] {strides = array<i32>} : memref<4x200x128xf32, #tpu.memory_space<vmem>>, vector<1x1x16xf32>,
        %get3A_553 = vector.shape_cast %get3A_552 : vector<1x1x16xf32> to vector<16xf32>
        %add3A_554 = arith.addf %get3A_543, %get3A_553 : vector<16xf32>
        %add3A_555 = arith.addf %add3A_533, %add3A_554 : vector<16xf32>
        %add3A_556 = arith.addf %scan3A_426, %add3A_555 : vector<16xf32>
        %mul3A_557 = arith.constant 4 : i32
        %mul3A_558 = arith.muli %mul3A_557, %scan3A_423 : i32
        %get3A_559 = arith.constant 2 : i32
        %get3A_560 = arith.index_cast %get3A_559 : i32 to index
        %get3A_561 = arith.index_cast %mul3A_558 : i32 to index
        %get3A_562 = arith.constant 48 : index
        %get3A_563 = tpu.vector_load %arg6[%get3A_560, %get3A_561, %get3A_562] {strides = array<i32>} : memref<4x200x128xf32, #tpu.memory_space<vmem>>, vector<1x1x16xf32>,
        %get3A_564 = vector.shape_cast %get3A_563 : vector<1x1x16xf32> to vector<16xf32>
        %mul3A_565 = arith.constant 4 : i32
        %mul3A_566 = arith.muli %mul3A_565, %scan3A_423 : i32
        %add3A_567 = arith.constant 1 : i32
        %add3A_568 = arith.addi %mul3A_566, %add3A_567 : i32
        %get3A_569 = arith.constant 2 : i32
        %get3A_570 = arith.index_cast %get3A_569 : i32 to index
        %get3A_571 = arith.index_cast %add3A_568 : i32 to index
        %get3A_572 = arith.constant 48 : index
        %get3A_573 = tpu.vector_load %arg6[%get3A_570, %get3A_571, %get3A_572] {strides = array<i32>} : memref<4x200x128xf32, #tpu.memory_space<vmem>>, vector<1x1x16xf32>,
        %get3A_574 = vector.shape_cast %get3A_573 : vector<1x1x16xf32> to vector<16xf32>
        %add3A_575 = arith.addf %get3A_564, %get3A_574 : vector<16xf32>
        %mul3A_576 = arith.constant 4 : i32
        %mul3A_577 = arith.muli %mul3A_576, %scan3A_423 : i32
        %add3A_578 = arith.constant 2 : i32
        %add3A_579 = arith.addi %mul3A_577, %add3A_578 : i32
        %get3A_580 = arith.constant 2 : i32
        %get3A_581 = arith.index_cast %get3A_580 : i32 to index
        %get3A_582 = arith.index_cast %add3A_579 : i32 to index
        %get3A_583 = arith.constant 48 : index
        %get3A_584 = tpu.vector_load %arg6[%get3A_581, %get3A_582, %get3A_583] {strides = array<i32>} : memref<4x200x128xf32, #tpu.memory_space<vmem>>, vector<1x1x16xf32>,
        %get3A_585 = vector.shape_cast %get3A_584 : vector<1x1x16xf32> to vector<16xf32>
        %mul3A_586 = arith.constant 4 : i32
        %mul3A_587 = arith.muli %mul3A_586, %scan3A_423 : i32
        %add3A_588 = arith.constant 3 : i32
        %add3A_589 = arith.addi %mul3A_587, %add3A_588 : i32
        %get3A_590 = arith.constant 2 : i32
        %get3A_591 = arith.index_cast %get3A_590 : i32 to index
        %get3A_592 = arith.index_cast %add3A_589 : i32 to index
        %get3A_593 = arith.constant 48 : index
        %get3A_594 = tpu.vector_load %arg6[%get3A_591, %get3A_592, %get3A_593] {strides = array<i32>} : memref<4x200x128xf32, #tpu.memory_space<vmem>>, vector<1x1x16xf32>,
        %get3A_595 = vector.shape_cast %get3A_594 : vector<1x1x16xf32> to vector<16xf32>
        %add3A_596 = arith.addf %get3A_585, %get3A_595 : vector<16xf32>
        %add3A_597 = arith.addf %add3A_575, %add3A_596 : vector<16xf32>
        %add3A_598 = arith.addf %scan3A_427, %add3A_597 : vector<16xf32>
        %mul3A_599 = arith.constant 4 : i32
        %mul3A_600 = arith.muli %mul3A_599, %scan3A_423 : i32
        %get3A_601 = arith.constant 2 : i32
        %get3A_602 = arith.index_cast %get3A_601 : i32 to index
        %get3A_603 = arith.index_cast %mul3A_600 : i32 to index
        %get3A_604 = arith.constant 64 : index
        %get3A_605 = tpu.vector_load %arg6[%get3A_602, %get3A_603, %get3A_604] {strides = array<i32>} : memref<4x200x128xf32, #tpu.memory_space<vmem>>, vector<1x1x16xf32>,
        %get3A_606 = vector.shape_cast %get3A_605 : vector<1x1x16xf32> to vector<16xf32>
        %mul3A_607 = arith.constant 4 : i32
        %mul3A_608 = arith.muli %mul3A_607, %scan3A_423 : i32
        %add3A_609 = arith.constant 1 : i32
        %add3A_610 = arith.addi %mul3A_608, %add3A_609 : i32
        %get3A_611 = arith.constant 2 : i32
        %get3A_612 = arith.index_cast %get3A_611 : i32 to index
        %get3A_613 = arith.index_cast %add3A_610 : i32 to index
        %get3A_614 = arith.constant 64 : index
        %get3A_615 = tpu.vector_load %arg6[%get3A_612, %get3A_613, %get3A_614] {strides = array<i32>} : memref<4x200x128xf32, #tpu.memory_space<vmem>>, vector<1x1x16xf32>,
        %get3A_616 = vector.shape_cast %get3A_615 : vector<1x1x16xf32> to vector<16xf32>
        %add3A_617 = arith.addf %get3A_606, %get3A_616 : vector<16xf32>
        %mul3A_618 = arith.constant 4 : i32
        %mul3A_619 = arith.muli %mul3A_618, %scan3A_423 : i32
        %add3A_620 = arith.constant 2 : i32
        %add3A_621 = arith.addi %mul3A_619, %add3A_620 : i32
        %get3A_622 = arith.constant 2 : i32
        %get3A_623 = arith.index_cast %get3A_622 : i32 to index
        %get3A_624 = arith.index_cast %add3A_621 : i32 to index
        %get3A_625 = arith.constant 64 : index
        %get3A_626 = tpu.vector_load %arg6[%get3A_623, %get3A_624, %get3A_625] {strides = array<i32>} : memref<4x200x128xf32, #tpu.memory_space<vmem>>, vector<1x1x16xf32>,
        %get3A_627 = vector.shape_cast %get3A_626 : vector<1x1x16xf32> to vector<16xf32>
        %mul3A_628 = arith.constant 4 : i32
        %mul3A_629 = arith.muli %mul3A_628, %scan3A_423 : i32
        %add3A_630 = arith.constant 3 : i32
        %add3A_631 = arith.addi %mul3A_629, %add3A_630 : i32
        %get3A_632 = arith.constant 2 : i32
        %get3A_633 = arith.index_cast %get3A_632 : i32 to index
        %get3A_634 = arith.index_cast %add3A_631 : i32 to index
        %get3A_635 = arith.constant 64 : index
        %get3A_636 = tpu.vector_load %arg6[%get3A_633, %get3A_634, %get3A_635] {strides = array<i32>} : memref<4x200x128xf32, #tpu.memory_space<vmem>>, vector<1x1x16xf32>,
        %get3A_637 = vector.shape_cast %get3A_636 : vector<1x1x16xf32> to vector<16xf32>
        %add3A_638 = arith.addf %get3A_627, %get3A_637 : vector<16xf32>
        %add3A_639 = arith.addf %add3A_617, %add3A_638 : vector<16xf32>
        %add3A_640 = arith.addf %scan3A_428, %add3A_639 : vector<16xf32>
        %mul3A_641 = arith.constant 4 : i32
        %mul3A_642 = arith.muli %mul3A_641, %scan3A_423 : i32
        %get3A_643 = arith.constant 2 : i32
        %get3A_644 = arith.index_cast %get3A_643 : i32 to index
        %get3A_645 = arith.index_cast %mul3A_642 : i32 to index
        %get3A_646 = arith.constant 80 : index
        %get3A_647 = tpu.vector_load %arg6[%get3A_644, %get3A_645, %get3A_646] {strides = array<i32>} : memref<4x200x128xf32, #tpu.memory_space<vmem>>, vector<1x1x16xf32>,
        %get3A_648 = vector.shape_cast %get3A_647 : vector<1x1x16xf32> to vector<16xf32>
        %mul3A_649 = arith.constant 4 : i32
        %mul3A_650 = arith.muli %mul3A_649, %scan3A_423 : i32
        %add3A_651 = arith.constant 1 : i32
        %add3A_652 = arith.addi %mul3A_650, %add3A_651 : i32
        %get3A_653 = arith.constant 2 : i32
        %get3A_654 = arith.index_cast %get3A_653 : i32 to index
        %get3A_655 = arith.index_cast %add3A_652 : i32 to index
        %get3A_656 = arith.constant 80 : index
        %get3A_657 = tpu.vector_load %arg6[%get3A_654, %get3A_655, %get3A_656] {strides = array<i32>} : memref<4x200x128xf32, #tpu.memory_space<vmem>>, vector<1x1x16xf32>,
        %get3A_658 = vector.shape_cast %get3A_657 : vector<1x1x16xf32> to vector<16xf32>
        %add3A_659 = arith.addf %get3A_648, %get3A_658 : vector<16xf32>
        %mul3A_660 = arith.constant 4 : i32
        %mul3A_661 = arith.muli %mul3A_660, %scan3A_423 : i32
        %add3A_662 = arith.constant 2 : i32
        %add3A_663 = arith.addi %mul3A_661, %add3A_662 : i32
        %get3A_664 = arith.constant 2 : i32
        %get3A_665 = arith.index_cast %get3A_664 : i32 to index
        %get3A_666 = arith.index_cast %add3A_663 : i32 to index
        %get3A_667 = arith.constant 80 : index
        %get3A_668 = tpu.vector_load %arg6[%get3A_665, %get3A_666, %get3A_667] {strides = array<i32>} : memref<4x200x128xf32, #tpu.memory_space<vmem>>, vector<1x1x16xf32>,
        %get3A_669 = vector.shape_cast %get3A_668 : vector<1x1x16xf32> to vector<16xf32>
        %mul3A_670 = arith.constant 4 : i32
        %mul3A_671 = arith.muli %mul3A_670, %scan3A_423 : i32
        %add3A_672 = arith.constant 3 : i32
        %add3A_673 = arith.addi %mul3A_671, %add3A_672 : i32
        %get3A_674 = arith.constant 2 : i32
        %get3A_675 = arith.index_cast %get3A_674 : i32 to index
        %get3A_676 = arith.index_cast %add3A_673 : i32 to index
        %get3A_677 = arith.constant 80 : index
        %get3A_678 = tpu.vector_load %arg6[%get3A_675, %get3A_676, %get3A_677] {strides = array<i32>} : memref<4x200x128xf32, #tpu.memory_space<vmem>>, vector<1x1x16xf32>,
        %get3A_679 = vector.shape_cast %get3A_678 : vector<1x1x16xf32> to vector<16xf32>
        %add3A_680 = arith.addf %get3A_669, %get3A_679 : vector<16xf32>
        %add3A_681 = arith.addf %add3A_659, %add3A_680 : vector<16xf32>
        %add3A_682 = arith.addf %scan3A_429, %add3A_681 : vector<16xf32>
        %mul3A_683 = arith.constant 4 : i32
        %mul3A_684 = arith.muli %mul3A_683, %scan3A_423 : i32
        %get3A_685 = arith.constant 2 : i32
        %get3A_686 = arith.index_cast %get3A_685 : i32 to index
        %get3A_687 = arith.index_cast %mul3A_684 : i32 to index
        %get3A_688 = arith.constant 96 : index
        %get3A_689 = tpu.vector_load %arg6[%get3A_686, %get3A_687, %get3A_688] {strides = array<i32>} : memref<4x200x128xf32, #tpu.memory_space<vmem>>, vector<1x1x16xf32>,
        %get3A_690 = vector.shape_cast %get3A_689 : vector<1x1x16xf32> to vector<16xf32>
        %mul3A_691 = arith.constant 4 : i32
        %mul3A_692 = arith.muli %mul3A_691, %scan3A_423 : i32
        %add3A_693 = arith.constant 1 : i32
        %add3A_694 = arith.addi %mul3A_692, %add3A_693 : i32
        %get3A_695 = arith.constant 2 : i32
        %get3A_696 = arith.index_cast %get3A_695 : i32 to index
        %get3A_697 = arith.index_cast %add3A_694 : i32 to index
        %get3A_698 = arith.constant 96 : index
        %get3A_699 = tpu.vector_load %arg6[%get3A_696, %get3A_697, %get3A_698] {strides = array<i32>} : memref<4x200x128xf32, #tpu.memory_space<vmem>>, vector<1x1x16xf32>,
        %get3A_700 = vector.shape_cast %get3A_699 : vector<1x1x16xf32> to vector<16xf32>
        %add3A_701 = arith.addf %get3A_690, %get3A_700 : vector<16xf32>
        %mul3A_702 = arith.constant 4 : i32
        %mul3A_703 = arith.muli %mul3A_702, %scan3A_423 : i32
        %add3A_704 = arith.constant 2 : i32
        %add3A_705 = arith.addi %mul3A_703, %add3A_704 : i32
        %get3A_706 = arith.constant 2 : i32
        %get3A_707 = arith.index_cast %get3A_706 : i32 to index
        %get3A_708 = arith.index_cast %add3A_705 : i32 to index
        %get3A_709 = arith.constant 96 : index
        %get3A_710 = tpu.vector_load %arg6[%get3A_707, %get3A_708, %get3A_709] {strides = array<i32>} : memref<4x200x128xf32, #tpu.memory_space<vmem>>, vector<1x1x16xf32>,
        %get3A_711 = vector.shape_cast %get3A_710 : vector<1x1x16xf32> to vector<16xf32>
        %mul3A_712 = arith.constant 4 : i32
        %mul3A_713 = arith.muli %mul3A_712, %scan3A_423 : i32
        %add3A_714 = arith.constant 3 : i32
        %add3A_715 = arith.addi %mul3A_713, %add3A_714 : i32
        %get3A_716 = arith.constant 2 : i32
        %get3A_717 = arith.index_cast %get3A_716 : i32 to index
        %get3A_718 = arith.index_cast %add3A_715 : i32 to index
        %get3A_719 = arith.constant 96 : index
        %get3A_720 = tpu.vector_load %arg6[%get3A_717, %get3A_718, %get3A_719] {strides = array<i32>} : memref<4x200x128xf32, #tpu.memory_space<vmem>>, vector<1x1x16xf32>,
        %get3A_721 = vector.shape_cast %get3A_720 : vector<1x1x16xf32> to vector<16xf32>
        %add3A_722 = arith.addf %get3A_711, %get3A_721 : vector<16xf32>
        %add3A_723 = arith.addf %add3A_701, %add3A_722 : vector<16xf32>
        %add3A_724 = arith.addf %scan3A_430, %add3A_723 : vector<16xf32>
        %mul3A_725 = arith.constant 4 : i32
        %mul3A_726 = arith.muli %mul3A_725, %scan3A_423 : i32
        %get3A_727 = arith.constant 2 : i32
        %get3A_728 = arith.index_cast %get3A_727 : i32 to index
        %get3A_729 = arith.index_cast %mul3A_726 : i32 to index
        %get3A_730 = arith.constant 112 : index
        %get3A_731 = tpu.vector_load %arg6[%get3A_728, %get3A_729, %get3A_730] {strides = array<i32>} : memref<4x200x128xf32, #tpu.memory_space<vmem>>, vector<1x1x16xf32>,
        %get3A_732 = vector.shape_cast %get3A_731 : vector<1x1x16xf32> to vector<16xf32>
        %mul3A_733 = arith.constant 4 : i32
        %mul3A_734 = arith.muli %mul3A_733, %scan3A_423 : i32
        %add3A_735 = arith.constant 1 : i32
        %add3A_736 = arith.addi %mul3A_734, %add3A_735 : i32
        %get3A_737 = arith.constant 2 : i32
        %get3A_738 = arith.index_cast %get3A_737 : i32 to index
        %get3A_739 = arith.index_cast %add3A_736 : i32 to index
        %get3A_740 = arith.constant 112 : index
        %get3A_741 = tpu.vector_load %arg6[%get3A_738, %get3A_739, %get3A_740] {strides = array<i32>} : memref<4x200x128xf32, #tpu.memory_space<vmem>>, vector<1x1x16xf32>,
        %get3A_742 = vector.shape_cast %get3A_741 : vector<1x1x16xf32> to vector<16xf32>
        %add3A_743 = arith.addf %get3A_732, %get3A_742 : vector<16xf32>
        %mul3A_744 = arith.constant 4 : i32
        %mul3A_745 = arith.muli %mul3A_744, %scan3A_423 : i32
        %add3A_746 = arith.constant 2 : i32
        %add3A_747 = arith.addi %mul3A_745, %add3A_746 : i32
        %get3A_748 = arith.constant 2 : i32
        %get3A_749 = arith.index_cast %get3A_748 : i32 to index
        %get3A_750 = arith.index_cast %add3A_747 : i32 to index
        %get3A_751 = arith.constant 112 : index
        %get3A_752 = tpu.vector_load %arg6[%get3A_749, %get3A_750, %get3A_751] {strides = array<i32>} : memref<4x200x128xf32, #tpu.memory_space<vmem>>, vector<1x1x16xf32>,
        %get3A_753 = vector.shape_cast %get3A_752 : vector<1x1x16xf32> to vector<16xf32>
        %mul3A_754 = arith.constant 4 : i32
        %mul3A_755 = arith.muli %mul3A_754, %scan3A_423 : i32
        %add3A_756 = arith.constant 3 : i32
        %add3A_757 = arith.addi %mul3A_755, %add3A_756 : i32
        %get3A_758 = arith.constant 2 : i32
        %get3A_759 = arith.index_cast %get3A_758 : i32 to index
        %get3A_760 = arith.index_cast %add3A_757 : i32 to index
        %get3A_761 = arith.constant 112 : index
        %get3A_762 = tpu.vector_load %arg6[%get3A_759, %get3A_760, %get3A_761] {strides = array<i32>} : memref<4x200x128xf32, #tpu.memory_space<vmem>>, vector<1x1x16xf32>,
        %get3A_763 = vector.shape_cast %get3A_762 : vector<1x1x16xf32> to vector<16xf32>
        %add3A_764 = arith.addf %get3A_753, %get3A_763 : vector<16xf32>
        %add3A_765 = arith.addf %add3A_743, %add3A_764 : vector<16xf32>
        %add3A_766 = arith.addf %scan3A_431, %add3A_765 : vector<16xf32>
        scf.yield %add3A_472, %add3A_514, %add3A_556, %add3A_598, %add3A_640, %add3A_682, %add3A_724, %add3A_766 : vector<16xf32>, vector<16xf32>, vector<16xf32>, vector<16xf32>, vector<16xf32>, vector<16xf32>, vector<16xf32>, vector<16xf32>
      }
      %scan3A_292 = arith.constant 50 : i32
      %swap3A_293 = arith.index_cast %add3A_246 : i32 to index
      %swap3A_294 = arith.constant 0 : index
      %swap3A_295 = tpu.vector_load %arg7[%swap3A_293, %swap3A_294] {strides = array<i32>} : memref<32x128xf32, #tpu.memory_space<vmem>>, vector<1x16xf32>,
      %swap3A_296 = vector.shape_cast %swap3A_295 : vector<1x16xf32> to vector<16xf32>
      %swap3A_297 = vector.shape_cast %scan3A_291#0 : vector<16xf32> to vector<1x16xf32>
      tpu.vector_store %arg7[%swap3A_293, %swap3A_294], %swap3A_297 {strides = array<i32>} : memref<32x128xf32, #tpu.memory_space<vmem>>, vector<1x16xf32>,
      %swap3A_298 = arith.index_cast %add3A_246 : i32 to index
      %swap3A_299 = arith.constant 16 : index
      %swap3A_300 = tpu.vector_load %arg7[%swap3A_298, %swap3A_299] {strides = array<i32>} : memref<32x128xf32, #tpu.memory_space<vmem>>, vector<1x16xf32>,
      %swap3A_301 = vector.shape_cast %swap3A_300 : vector<1x16xf32> to vector<16xf32>
      %swap3A_302 = vector.shape_cast %scan3A_291#1 : vector<16xf32> to vector<1x16xf32>
      tpu.vector_store %arg7[%swap3A_298, %swap3A_299], %swap3A_302 {strides = array<i32>} : memref<32x128xf32, #tpu.memory_space<vmem>>, vector<1x16xf32>,
      %swap3A_303 = arith.index_cast %add3A_246 : i32 to index
      %swap3A_304 = arith.constant 32 : index
      %swap3A_305 = tpu.vector_load %arg7[%swap3A_303, %swap3A_304] {strides = array<i32>} : memref<32x128xf32, #tpu.memory_space<vmem>>, vector<1x16xf32>,
      %swap3A_306 = vector.shape_cast %swap3A_305 : vector<1x16xf32> to vector<16xf32>
      %swap3A_307 = vector.shape_cast %scan3A_291#2 : vector<16xf32> to vector<1x16xf32>
      tpu.vector_store %arg7[%swap3A_303, %swap3A_304], %swap3A_307 {strides = array<i32>} : memref<32x128xf32, #tpu.memory_space<vmem>>, vector<1x16xf32>,
      %swap3A_308 = arith.index_cast %add3A_246 : i32 to index
      %swap3A_309 = arith.constant 48 : index
      %swap3A_310 = tpu.vector_load %arg7[%swap3A_308, %swap3A_309] {strides = array<i32>} : memref<32x128xf32, #tpu.memory_space<vmem>>, vector<1x16xf32>,
      %swap3A_311 = vector.shape_cast %swap3A_310 : vector<1x16xf32> to vector<16xf32>
      %swap3A_312 = vector.shape_cast %scan3A_291#3 : vector<16xf32> to vector<1x16xf32>
      tpu.vector_store %arg7[%swap3A_308, %swap3A_309], %swap3A_312 {strides = array<i32>} : memref<32x128xf32, #tpu.memory_space<vmem>>, vector<1x16xf32>,
      %swap3A_313 = arith.index_cast %add3A_246 : i32 to index
      %swap3A_314 = arith.constant 64 : index
      %swap3A_315 = tpu.vector_load %arg7[%swap3A_313, %swap3A_314] {strides = array<i32>} : memref<32x128xf32, #tpu.memory_space<vmem>>, vector<1x16xf32>,
      %swap3A_316 = vector.shape_cast %swap3A_315 : vector<1x16xf32> to vector<16xf32>
      %swap3A_317 = vector.shape_cast %scan3A_291#4 : vector<16xf32> to vector<1x16xf32>
      tpu.vector_store %arg7[%swap3A_313, %swap3A_314], %swap3A_317 {strides = array<i32>} : memref<32x128xf32, #tpu.memory_space<vmem>>, vector<1x16xf32>,
      %swap3A_318 = arith.index_cast %add3A_246 : i32 to index
      %swap3A_319 = arith.constant 80 : index
      %swap3A_320 = tpu.vector_load %arg7[%swap3A_318, %swap3A_319] {strides = array<i32>} : memref<32x128xf32, #tpu.memory_space<vmem>>, vector<1x16xf32>,
      %swap3A_321 = vector.shape_cast %swap3A_320 : vector<1x16xf32> to vector<16xf32>
      %swap3A_322 = vector.shape_cast %scan3A_291#5 : vector<16xf32> to vector<1x16xf32>
      tpu.vector_store %arg7[%swap3A_318, %swap3A_319], %swap3A_322 {strides = array<i32>} : memref<32x128xf32, #tpu.memory_space<vmem>>, vector<1x16xf32>,
      %swap3A_323 = arith.index_cast %add3A_246 : i32 to index
      %swap3A_324 = arith.constant 96 : index
      %swap3A_325 = tpu.vector_load %arg7[%swap3A_323, %swap3A_324] {strides = array<i32>} : memref<32x128xf32, #tpu.memory_space<vmem>>, vector<1x16xf32>,
      %swap3A_326 = vector.shape_cast %swap3A_325 : vector<1x16xf32> to vector<16xf32>
      %swap3A_327 = vector.shape_cast %scan3A_291#6 : vector<16xf32> to vector<1x16xf32>
      tpu.vector_store %arg7[%swap3A_323, %swap3A_324], %swap3A_327 {strides = array<i32>} : memref<32x128xf32, #tpu.memory_space<vmem>>, vector<1x16xf32>,
      %swap3A_328 = arith.index_cast %add3A_246 : i32 to index
      %swap3A_329 = arith.constant 112 : index
      %swap3A_330 = tpu.vector_load %arg7[%swap3A_328, %swap3A_329] {strides = array<i32>} : memref<32x128xf32, #tpu.memory_space<vmem>>, vector<1x16xf32>,
      %swap3A_331 = vector.shape_cast %swap3A_330 : vector<1x16xf32> to vector<16xf32>
      %swap3A_332 = vector.shape_cast %scan3A_291#7 : vector<16xf32> to vector<1x16xf32>
      tpu.vector_store %arg7[%swap3A_328, %swap3A_329], %swap3A_332 {strides = array<i32>} : memref<32x128xf32, #tpu.memory_space<vmem>>, vector<1x16xf32>,
      %mul3A_333 = arith.constant 4 : i32
      %mul3A_334 = arith.muli %scan3A_69, %mul3A_333 : i32
      %add3A_335 = arith.constant 3 : i32
      %add3A_336 = arith.addi %mul3A_334, %add3A_335 : i32
      %add3A_337 = arith.constant 4 : i32
      %add3A_338 = arith.addi %add3A_336, %add3A_337 : i32
      %sub3A_339 = arith.constant 1 : i32
      %sub3A_340 = arith.subi %add3A_338, %sub3A_339 : i32
      %lt3A_341 = arith.constant 32 : i32
      %lt3A_342 = arith.cmpi slt, %sub3A_340, %lt3A_341 : i32
      %convert_element_type3A_343 = arith.extui %lt3A_342 : i1 to i32
      %cond3A_344 = arith.constant 0 : i32
      %cond3A_345 = arith.cmpi ne, %convert_element_type3A_343, %cond3A_344 : i32
      scf.if %cond3A_345 {
        %mul3A_423 = arith.constant 200 : i32
        %mul3A_424 = arith.muli %sub3A_340, %mul3A_423 : i32
        %dma_start3A_425 = arith.constant 2 : i32
        %dma_start3A_426 = arith.constant 0 : i32
        %dma_start3A_427 = arith.constant 0 : i32
        %dma_start3A_428 = tpu.memref_slice %arg6[%dma_start3A_425, %dma_start3A_426, %dma_start3A_427] : memref<4x200x128xf32, #tpu.memory_space<vmem>> -> memref<1x104x128xf32, #tpu.memory_space<vmem>>
        %dma_start3A_429 = tpu.memref_squeeze %dma_start3A_428 : memref<1x104x128xf32, #tpu.memory_space<vmem>> -> memref<104x128xf32, #tpu.memory_space<vmem>>
        %dma_start3A_430 = tpu.memref_slice %arg5[%mul3A_424] : memref<6400xi32, #tpu.memory_space<vmem>> -> memref<104xi32, #tpu.memory_space<vmem>>
        %dma_start3A_431 = arith.constant 0 : i32
        %dma_start3A_432 = arith.constant 0 : i32
        %dma_start3A_433 = tpu.memref_slice %arg3[%dma_start3A_431, %dma_start3A_432] : memref<100000x128xf32, #tpu.memory_space<hbm>> -> memref<100000x128xf32, #tpu.memory_space<hbm>>
        tpu.enqueue_indirect_dma source(%dma_start3A_433 : memref<100000x128xf32, #tpu.memory_space<hbm>>) target(%dma_start3A_429 : memref<104x128xf32, #tpu.memory_space<vmem>>) offsets(%dma_start3A_430 : memref<104xi32, #tpu.memory_space<vmem>>) semaphore(%arg10 : memref<!tpu.dma_semaphore, #tpu.memory_space<semaphore_mem>>)
        %mul3A_434 = arith.constant 200 : i32
        %mul3A_435 = arith.muli %sub3A_340, %mul3A_434 : i32
        %add3A_436 = arith.constant 104 : i32
        %add3A_437 = arith.addi %mul3A_435, %add3A_436 : i32
        %dma_start3A_438 = arith.constant 2 : i32
        %dma_start3A_439 = arith.constant 104 : i32
        %dma_start3A_440 = arith.constant 0 : i32
        %dma_start3A_441 = tpu.memref_slice %arg6[%dma_start3A_438, %dma_start3A_439, %dma_start3A_440] : memref<4x200x128xf32, #tpu.memory_space<vmem>> -> memref<1x96x128xf32, #tpu.memory_space<vmem>>
        %dma_start3A_442 = tpu.memref_squeeze %dma_start3A_441 : memref<1x96x128xf32, #tpu.memory_space<vmem>> -> memref<96x128xf32, #tpu.memory_space<vmem>>
        %dma_start3A_443 = tpu.memref_slice %arg5[%add3A_437] : memref<6400xi32, #tpu.memory_space<vmem>> -> memref<96xi32, #tpu.memory_space<vmem>>
        %dma_start3A_444 = arith.constant 0 : i32
        %dma_start3A_445 = arith.constant 0 : i32
        %dma_start3A_446 = tpu.memref_slice %arg3[%dma_start3A_444, %dma_start3A_445] : memref<100000x128xf32, #tpu.memory_space<hbm>> -> memref<100000x128xf32, #tpu.memory_space<hbm>>
        tpu.enqueue_indirect_dma source(%dma_start3A_446 : memref<100000x128xf32, #tpu.memory_space<hbm>>) target(%dma_start3A_442 : memref<96x128xf32, #tpu.memory_space<vmem>>) offsets(%dma_start3A_443 : memref<96xi32, #tpu.memory_space<vmem>>) semaphore(%arg10 : memref<!tpu.dma_semaphore, #tpu.memory_space<semaphore_mem>>)
      } else {
      }
      %dma_wait3A_346 = arith.constant 3 : i32
      %dma_wait3A_347 = arith.constant 0 : i32
      %dma_wait3A_348 = arith.constant 0 : i32
      %dma_wait3A_349 = tpu.memref_slice %arg6[%dma_wait3A_346, %dma_wait3A_347, %dma_wait3A_348] : memref<4x200x128xf32, #tpu.memory_space<vmem>> -> memref<1x200x128xf32, #tpu.memory_space<vmem>>
      %dma_wait3A_350 = tpu.memref_squeeze %dma_wait3A_349 : memref<1x200x128xf32, #tpu.memory_space<vmem>> -> memref<200x128xf32, #tpu.memory_space<vmem>>
      %dma_wait3A_351 = arith.constant 0 : i32
      %dma_wait3A_352 = arith.constant 0 : i32
      %dma_wait3A_353 = tpu.memref_slice %arg3[%dma_wait3A_351, %dma_wait3A_352] : memref<100000x128xf32, #tpu.memory_space<hbm>> -> memref<200x128xf32, #tpu.memory_space<hbm>>
      %dma_wait3A_354 = arith.constant 0 : i32
      %dma_wait3A_355 = arith.constant 0 : i32
      %dma_wait3A_356 = tpu.memref_slice %arg6[%dma_wait3A_346, %dma_wait3A_354, %dma_wait3A_355] : memref<4x200x128xf32, #tpu.memory_space<vmem>> -> memref<1x200x128xf32, #tpu.memory_space<vmem>>
      %dma_wait3A_357 = tpu.memref_squeeze %dma_wait3A_356 : memref<1x200x128xf32, #tpu.memory_space<vmem>> -> memref<200x128xf32, #tpu.memory_space<vmem>>
      %dma_wait3A_358 = arith.constant 0 : i32
      %dma_wait3A_359 = arith.constant 0 : i32
      %dma_wait3A_360 = tpu.memref_slice %arg3[%dma_wait3A_358, %dma_wait3A_359] : memref<100000x128xf32, #tpu.memory_space<hbm>> -> memref<200x128xf32, #tpu.memory_space<hbm>>
      tpu.wait_dma2 semaphore(%arg11 : memref<!tpu.dma_semaphore, #tpu.memory_space<semaphore_mem>>) src(%dma_wait3A_360 : memref<200x128xf32, #tpu.memory_space<hbm>>) dst(%dma_wait3A_357 : memref<200x128xf32, #tpu.memory_space<vmem>>)
      %broadcast_in_dim3A_361 = arith.constant 0.000000e+00 : f32
      %broadcast_in_dim3A_362 = vector.broadcast %broadcast_in_dim3A_361 : f32 to vector<16xf32>
      %broadcast_in_dim3A_363 = arith.constant 0.000000e+00 : f32
      %broadcast_in_dim3A_364 = vector.broadcast %broadcast_in_dim3A_363 : f32 to vector<16xf32>
      %broadcast_in_dim3A_365 = arith.constant 0.000000e+00 : f32
      %broadcast_in_dim3A_366 = vector.broadcast %broadcast_in_dim3A_365 : f32 to vector<16xf32>
      %broadcast_in_dim3A_367 = arith.constant 0.000000e+00 : f32
      %broadcast_in_dim3A_368 = vector.broadcast %broadcast_in_dim3A_367 : f32 to vector<16xf32>
      %broadcast_in_dim3A_369 = arith.constant 0.000000e+00 : f32
      %broadcast_in_dim3A_370 = vector.broadcast %broadcast_in_dim3A_369 : f32 to vector<16xf32>
      %broadcast_in_dim3A_371 = arith.constant 0.000000e+00 : f32
      %broadcast_in_dim3A_372 = vector.broadcast %broadcast_in_dim3A_371 : f32 to vector<16xf32>
      %broadcast_in_dim3A_373 = arith.constant 0.000000e+00 : f32
      %broadcast_in_dim3A_374 = vector.broadcast %broadcast_in_dim3A_373 : f32 to vector<16xf32>
      %broadcast_in_dim3A_375 = arith.constant 0.000000e+00 : f32
      %broadcast_in_dim3A_376 = vector.broadcast %broadcast_in_dim3A_375 : f32 to vector<16xf32>
      %scan3A_377 = arith.constant 0 : i32
      %scan3A_378 = arith.constant 50 : i32
      %scan3A_379 = arith.addi %scan3A_377, %scan3A_378 : i32
      %scan3A_380 = arith.constant 1 : i32
      %scan3A_381:8 = scf.for %scan3A_423 = %scan3A_377 to %scan3A_379 step %scan3A_380 iter_args(%scan3A_424 = %broadcast_in_dim3A_362, %scan3A_425 = %broadcast_in_dim3A_364, %scan3A_426 = %broadcast_in_dim3A_366, %scan3A_427 = %broadcast_in_dim3A_368, %scan3A_428 = %broadcast_in_dim3A_370, %scan3A_429 = %broadcast_in_dim3A_372, %scan3A_430 = %broadcast_in_dim3A_374, %scan3A_431 = %broadcast_in_dim3A_376) -> (vector<16xf32>, vector<16xf32>, vector<16xf32>, vector<16xf32>, vector<16xf32>, vector<16xf32>, vector<16xf32>, vector<16xf32>)  : i32 {
        %mul3A_432 = arith.constant 4 : i32
        %mul3A_433 = arith.muli %mul3A_432, %scan3A_423 : i32
        %get3A = arith.constant 3 : i32
        %get3A_434 = arith.index_cast %get3A : i32 to index
        %get3A_435 = arith.index_cast %mul3A_433 : i32 to index
        %get3A_436 = arith.constant 0 : index
        %get3A_437 = tpu.vector_load %arg6[%get3A_434, %get3A_435, %get3A_436] {strides = array<i32>} : memref<4x200x128xf32, #tpu.memory_space<vmem>>, vector<1x1x16xf32>,
        %get3A_438 = vector.shape_cast %get3A_437 : vector<1x1x16xf32> to vector<16xf32>
        %mul3A_439 = arith.constant 4 : i32
        %mul3A_440 = arith.muli %mul3A_439, %scan3A_423 : i32
        %add3A_441 = arith.constant 1 : i32
        %add3A_442 = arith.addi %mul3A_440, %add3A_441 : i32
        %get3A_443 = arith.constant 3 : i32
        %get3A_444 = arith.index_cast %get3A_443 : i32 to index
        %get3A_445 = arith.index_cast %add3A_442 : i32 to index
        %get3A_446 = arith.constant 0 : index
        %get3A_447 = tpu.vector_load %arg6[%get3A_444, %get3A_445, %get3A_446] {strides = array<i32>} : memref<4x200x128xf32, #tpu.memory_space<vmem>>, vector<1x1x16xf32>,
        %get3A_448 = vector.shape_cast %get3A_447 : vector<1x1x16xf32> to vector<16xf32>
        %add3A_449 = arith.addf %get3A_438, %get3A_448 : vector<16xf32>
        %mul3A_450 = arith.constant 4 : i32
        %mul3A_451 = arith.muli %mul3A_450, %scan3A_423 : i32
        %add3A_452 = arith.constant 2 : i32
        %add3A_453 = arith.addi %mul3A_451, %add3A_452 : i32
        %get3A_454 = arith.constant 3 : i32
        %get3A_455 = arith.index_cast %get3A_454 : i32 to index
        %get3A_456 = arith.index_cast %add3A_453 : i32 to index
        %get3A_457 = arith.constant 0 : index
        %get3A_458 = tpu.vector_load %arg6[%get3A_455, %get3A_456, %get3A_457] {strides = array<i32>} : memref<4x200x128xf32, #tpu.memory_space<vmem>>, vector<1x1x16xf32>,
        %get3A_459 = vector.shape_cast %get3A_458 : vector<1x1x16xf32> to vector<16xf32>
        %mul3A_460 = arith.constant 4 : i32
        %mul3A_461 = arith.muli %mul3A_460, %scan3A_423 : i32
        %add3A_462 = arith.constant 3 : i32
        %add3A_463 = arith.addi %mul3A_461, %add3A_462 : i32
        %get3A_464 = arith.constant 3 : i32
        %get3A_465 = arith.index_cast %get3A_464 : i32 to index
        %get3A_466 = arith.index_cast %add3A_463 : i32 to index
        %get3A_467 = arith.constant 0 : index
        %get3A_468 = tpu.vector_load %arg6[%get3A_465, %get3A_466, %get3A_467] {strides = array<i32>} : memref<4x200x128xf32, #tpu.memory_space<vmem>>, vector<1x1x16xf32>,
        %get3A_469 = vector.shape_cast %get3A_468 : vector<1x1x16xf32> to vector<16xf32>
        %add3A_470 = arith.addf %get3A_459, %get3A_469 : vector<16xf32>
        %add3A_471 = arith.addf %add3A_449, %add3A_470 : vector<16xf32>
        %add3A_472 = arith.addf %scan3A_424, %add3A_471 : vector<16xf32>
        %mul3A_473 = arith.constant 4 : i32
        %mul3A_474 = arith.muli %mul3A_473, %scan3A_423 : i32
        %get3A_475 = arith.constant 3 : i32
        %get3A_476 = arith.index_cast %get3A_475 : i32 to index
        %get3A_477 = arith.index_cast %mul3A_474 : i32 to index
        %get3A_478 = arith.constant 16 : index
        %get3A_479 = tpu.vector_load %arg6[%get3A_476, %get3A_477, %get3A_478] {strides = array<i32>} : memref<4x200x128xf32, #tpu.memory_space<vmem>>, vector<1x1x16xf32>,
        %get3A_480 = vector.shape_cast %get3A_479 : vector<1x1x16xf32> to vector<16xf32>
        %mul3A_481 = arith.constant 4 : i32
        %mul3A_482 = arith.muli %mul3A_481, %scan3A_423 : i32
        %add3A_483 = arith.constant 1 : i32
        %add3A_484 = arith.addi %mul3A_482, %add3A_483 : i32
        %get3A_485 = arith.constant 3 : i32
        %get3A_486 = arith.index_cast %get3A_485 : i32 to index
        %get3A_487 = arith.index_cast %add3A_484 : i32 to index
        %get3A_488 = arith.constant 16 : index
        %get3A_489 = tpu.vector_load %arg6[%get3A_486, %get3A_487, %get3A_488] {strides = array<i32>} : memref<4x200x128xf32, #tpu.memory_space<vmem>>, vector<1x1x16xf32>,
        %get3A_490 = vector.shape_cast %get3A_489 : vector<1x1x16xf32> to vector<16xf32>
        %add3A_491 = arith.addf %get3A_480, %get3A_490 : vector<16xf32>
        %mul3A_492 = arith.constant 4 : i32
        %mul3A_493 = arith.muli %mul3A_492, %scan3A_423 : i32
        %add3A_494 = arith.constant 2 : i32
        %add3A_495 = arith.addi %mul3A_493, %add3A_494 : i32
        %get3A_496 = arith.constant 3 : i32
        %get3A_497 = arith.index_cast %get3A_496 : i32 to index
        %get3A_498 = arith.index_cast %add3A_495 : i32 to index
        %get3A_499 = arith.constant 16 : index
        %get3A_500 = tpu.vector_load %arg6[%get3A_497, %get3A_498, %get3A_499] {strides = array<i32>} : memref<4x200x128xf32, #tpu.memory_space<vmem>>, vector<1x1x16xf32>,
        %get3A_501 = vector.shape_cast %get3A_500 : vector<1x1x16xf32> to vector<16xf32>
        %mul3A_502 = arith.constant 4 : i32
        %mul3A_503 = arith.muli %mul3A_502, %scan3A_423 : i32
        %add3A_504 = arith.constant 3 : i32
        %add3A_505 = arith.addi %mul3A_503, %add3A_504 : i32
        %get3A_506 = arith.constant 3 : i32
        %get3A_507 = arith.index_cast %get3A_506 : i32 to index
        %get3A_508 = arith.index_cast %add3A_505 : i32 to index
        %get3A_509 = arith.constant 16 : index
        %get3A_510 = tpu.vector_load %arg6[%get3A_507, %get3A_508, %get3A_509] {strides = array<i32>} : memref<4x200x128xf32, #tpu.memory_space<vmem>>, vector<1x1x16xf32>,
        %get3A_511 = vector.shape_cast %get3A_510 : vector<1x1x16xf32> to vector<16xf32>
        %add3A_512 = arith.addf %get3A_501, %get3A_511 : vector<16xf32>
        %add3A_513 = arith.addf %add3A_491, %add3A_512 : vector<16xf32>
        %add3A_514 = arith.addf %scan3A_425, %add3A_513 : vector<16xf32>
        %mul3A_515 = arith.constant 4 : i32
        %mul3A_516 = arith.muli %mul3A_515, %scan3A_423 : i32
        %get3A_517 = arith.constant 3 : i32
        %get3A_518 = arith.index_cast %get3A_517 : i32 to index
        %get3A_519 = arith.index_cast %mul3A_516 : i32 to index
        %get3A_520 = arith.constant 32 : index
        %get3A_521 = tpu.vector_load %arg6[%get3A_518, %get3A_519, %get3A_520] {strides = array<i32>} : memref<4x200x128xf32, #tpu.memory_space<vmem>>, vector<1x1x16xf32>,
        %get3A_522 = vector.shape_cast %get3A_521 : vector<1x1x16xf32> to vector<16xf32>
        %mul3A_523 = arith.constant 4 : i32
        %mul3A_524 = arith.muli %mul3A_523, %scan3A_423 : i32
        %add3A_525 = arith.constant 1 : i32
        %add3A_526 = arith.addi %mul3A_524, %add3A_525 : i32
        %get3A_527 = arith.constant 3 : i32
        %get3A_528 = arith.index_cast %get3A_527 : i32 to index
        %get3A_529 = arith.index_cast %add3A_526 : i32 to index
        %get3A_530 = arith.constant 32 : index
        %get3A_531 = tpu.vector_load %arg6[%get3A_528, %get3A_529, %get3A_530] {strides = array<i32>} : memref<4x200x128xf32, #tpu.memory_space<vmem>>, vector<1x1x16xf32>,
        %get3A_532 = vector.shape_cast %get3A_531 : vector<1x1x16xf32> to vector<16xf32>
        %add3A_533 = arith.addf %get3A_522, %get3A_532 : vector<16xf32>
        %mul3A_534 = arith.constant 4 : i32
        %mul3A_535 = arith.muli %mul3A_534, %scan3A_423 : i32
        %add3A_536 = arith.constant 2 : i32
        %add3A_537 = arith.addi %mul3A_535, %add3A_536 : i32
        %get3A_538 = arith.constant 3 : i32
        %get3A_539 = arith.index_cast %get3A_538 : i32 to index
        %get3A_540 = arith.index_cast %add3A_537 : i32 to index
        %get3A_541 = arith.constant 32 : index
        %get3A_542 = tpu.vector_load %arg6[%get3A_539, %get3A_540, %get3A_541] {strides = array<i32>} : memref<4x200x128xf32, #tpu.memory_space<vmem>>, vector<1x1x16xf32>,
        %get3A_543 = vector.shape_cast %get3A_542 : vector<1x1x16xf32> to vector<16xf32>
        %mul3A_544 = arith.constant 4 : i32
        %mul3A_545 = arith.muli %mul3A_544, %scan3A_423 : i32
        %add3A_546 = arith.constant 3 : i32
        %add3A_547 = arith.addi %mul3A_545, %add3A_546 : i32
        %get3A_548 = arith.constant 3 : i32
        %get3A_549 = arith.index_cast %get3A_548 : i32 to index
        %get3A_550 = arith.index_cast %add3A_547 : i32 to index
        %get3A_551 = arith.constant 32 : index
        %get3A_552 = tpu.vector_load %arg6[%get3A_549, %get3A_550, %get3A_551] {strides = array<i32>} : memref<4x200x128xf32, #tpu.memory_space<vmem>>, vector<1x1x16xf32>,
        %get3A_553 = vector.shape_cast %get3A_552 : vector<1x1x16xf32> to vector<16xf32>
        %add3A_554 = arith.addf %get3A_543, %get3A_553 : vector<16xf32>
        %add3A_555 = arith.addf %add3A_533, %add3A_554 : vector<16xf32>
        %add3A_556 = arith.addf %scan3A_426, %add3A_555 : vector<16xf32>
        %mul3A_557 = arith.constant 4 : i32
        %mul3A_558 = arith.muli %mul3A_557, %scan3A_423 : i32
        %get3A_559 = arith.constant 3 : i32
        %get3A_560 = arith.index_cast %get3A_559 : i32 to index
        %get3A_561 = arith.index_cast %mul3A_558 : i32 to index
        %get3A_562 = arith.constant 48 : index
        %get3A_563 = tpu.vector_load %arg6[%get3A_560, %get3A_561, %get3A_562] {strides = array<i32>} : memref<4x200x128xf32, #tpu.memory_space<vmem>>, vector<1x1x16xf32>,
        %get3A_564 = vector.shape_cast %get3A_563 : vector<1x1x16xf32> to vector<16xf32>
        %mul3A_565 = arith.constant 4 : i32
        %mul3A_566 = arith.muli %mul3A_565, %scan3A_423 : i32
        %add3A_567 = arith.constant 1 : i32
        %add3A_568 = arith.addi %mul3A_566, %add3A_567 : i32
        %get3A_569 = arith.constant 3 : i32
        %get3A_570 = arith.index_cast %get3A_569 : i32 to index
        %get3A_571 = arith.index_cast %add3A_568 : i32 to index
        %get3A_572 = arith.constant 48 : index
        %get3A_573 = tpu.vector_load %arg6[%get3A_570, %get3A_571, %get3A_572] {strides = array<i32>} : memref<4x200x128xf32, #tpu.memory_space<vmem>>, vector<1x1x16xf32>,
        %get3A_574 = vector.shape_cast %get3A_573 : vector<1x1x16xf32> to vector<16xf32>
        %add3A_575 = arith.addf %get3A_564, %get3A_574 : vector<16xf32>
        %mul3A_576 = arith.constant 4 : i32
        %mul3A_577 = arith.muli %mul3A_576, %scan3A_423 : i32
        %add3A_578 = arith.constant 2 : i32
        %add3A_579 = arith.addi %mul3A_577, %add3A_578 : i32
        %get3A_580 = arith.constant 3 : i32
        %get3A_581 = arith.index_cast %get3A_580 : i32 to index
        %get3A_582 = arith.index_cast %add3A_579 : i32 to index
        %get3A_583 = arith.constant 48 : index
        %get3A_584 = tpu.vector_load %arg6[%get3A_581, %get3A_582, %get3A_583] {strides = array<i32>} : memref<4x200x128xf32, #tpu.memory_space<vmem>>, vector<1x1x16xf32>,
        %get3A_585 = vector.shape_cast %get3A_584 : vector<1x1x16xf32> to vector<16xf32>
        %mul3A_586 = arith.constant 4 : i32
        %mul3A_587 = arith.muli %mul3A_586, %scan3A_423 : i32
        %add3A_588 = arith.constant 3 : i32
        %add3A_589 = arith.addi %mul3A_587, %add3A_588 : i32
        %get3A_590 = arith.constant 3 : i32
        %get3A_591 = arith.index_cast %get3A_590 : i32 to index
        %get3A_592 = arith.index_cast %add3A_589 : i32 to index
        %get3A_593 = arith.constant 48 : index
        %get3A_594 = tpu.vector_load %arg6[%get3A_591, %get3A_592, %get3A_593] {strides = array<i32>} : memref<4x200x128xf32, #tpu.memory_space<vmem>>, vector<1x1x16xf32>,
        %get3A_595 = vector.shape_cast %get3A_594 : vector<1x1x16xf32> to vector<16xf32>
        %add3A_596 = arith.addf %get3A_585, %get3A_595 : vector<16xf32>
        %add3A_597 = arith.addf %add3A_575, %add3A_596 : vector<16xf32>
        %add3A_598 = arith.addf %scan3A_427, %add3A_597 : vector<16xf32>
        %mul3A_599 = arith.constant 4 : i32
        %mul3A_600 = arith.muli %mul3A_599, %scan3A_423 : i32
        %get3A_601 = arith.constant 3 : i32
        %get3A_602 = arith.index_cast %get3A_601 : i32 to index
        %get3A_603 = arith.index_cast %mul3A_600 : i32 to index
        %get3A_604 = arith.constant 64 : index
        %get3A_605 = tpu.vector_load %arg6[%get3A_602, %get3A_603, %get3A_604] {strides = array<i32>} : memref<4x200x128xf32, #tpu.memory_space<vmem>>, vector<1x1x16xf32>,
        %get3A_606 = vector.shape_cast %get3A_605 : vector<1x1x16xf32> to vector<16xf32>
        %mul3A_607 = arith.constant 4 : i32
        %mul3A_608 = arith.muli %mul3A_607, %scan3A_423 : i32
        %add3A_609 = arith.constant 1 : i32
        %add3A_610 = arith.addi %mul3A_608, %add3A_609 : i32
        %get3A_611 = arith.constant 3 : i32
        %get3A_612 = arith.index_cast %get3A_611 : i32 to index
        %get3A_613 = arith.index_cast %add3A_610 : i32 to index
        %get3A_614 = arith.constant 64 : index
        %get3A_615 = tpu.vector_load %arg6[%get3A_612, %get3A_613, %get3A_614] {strides = array<i32>} : memref<4x200x128xf32, #tpu.memory_space<vmem>>, vector<1x1x16xf32>,
        %get3A_616 = vector.shape_cast %get3A_615 : vector<1x1x16xf32> to vector<16xf32>
        %add3A_617 = arith.addf %get3A_606, %get3A_616 : vector<16xf32>
        %mul3A_618 = arith.constant 4 : i32
        %mul3A_619 = arith.muli %mul3A_618, %scan3A_423 : i32
        %add3A_620 = arith.constant 2 : i32
        %add3A_621 = arith.addi %mul3A_619, %add3A_620 : i32
        %get3A_622 = arith.constant 3 : i32
        %get3A_623 = arith.index_cast %get3A_622 : i32 to index
        %get3A_624 = arith.index_cast %add3A_621 : i32 to index
        %get3A_625 = arith.constant 64 : index
        %get3A_626 = tpu.vector_load %arg6[%get3A_623, %get3A_624, %get3A_625] {strides = array<i32>} : memref<4x200x128xf32, #tpu.memory_space<vmem>>, vector<1x1x16xf32>,
        %get3A_627 = vector.shape_cast %get3A_626 : vector<1x1x16xf32> to vector<16xf32>
        %mul3A_628 = arith.constant 4 : i32
        %mul3A_629 = arith.muli %mul3A_628, %scan3A_423 : i32
        %add3A_630 = arith.constant 3 : i32
        %add3A_631 = arith.addi %mul3A_629, %add3A_630 : i32
        %get3A_632 = arith.constant 3 : i32
        %get3A_633 = arith.index_cast %get3A_632 : i32 to index
        %get3A_634 = arith.index_cast %add3A_631 : i32 to index
        %get3A_635 = arith.constant 64 : index
        %get3A_636 = tpu.vector_load %arg6[%get3A_633, %get3A_634, %get3A_635] {strides = array<i32>} : memref<4x200x128xf32, #tpu.memory_space<vmem>>, vector<1x1x16xf32>,
        %get3A_637 = vector.shape_cast %get3A_636 : vector<1x1x16xf32> to vector<16xf32>
        %add3A_638 = arith.addf %get3A_627, %get3A_637 : vector<16xf32>
        %add3A_639 = arith.addf %add3A_617, %add3A_638 : vector<16xf32>
        %add3A_640 = arith.addf %scan3A_428, %add3A_639 : vector<16xf32>
        %mul3A_641 = arith.constant 4 : i32
        %mul3A_642 = arith.muli %mul3A_641, %scan3A_423 : i32
        %get3A_643 = arith.constant 3 : i32
        %get3A_644 = arith.index_cast %get3A_643 : i32 to index
        %get3A_645 = arith.index_cast %mul3A_642 : i32 to index
        %get3A_646 = arith.constant 80 : index
        %get3A_647 = tpu.vector_load %arg6[%get3A_644, %get3A_645, %get3A_646] {strides = array<i32>} : memref<4x200x128xf32, #tpu.memory_space<vmem>>, vector<1x1x16xf32>,
        %get3A_648 = vector.shape_cast %get3A_647 : vector<1x1x16xf32> to vector<16xf32>
        %mul3A_649 = arith.constant 4 : i32
        %mul3A_650 = arith.muli %mul3A_649, %scan3A_423 : i32
        %add3A_651 = arith.constant 1 : i32
        %add3A_652 = arith.addi %mul3A_650, %add3A_651 : i32
        %get3A_653 = arith.constant 3 : i32
        %get3A_654 = arith.index_cast %get3A_653 : i32 to index
        %get3A_655 = arith.index_cast %add3A_652 : i32 to index
        %get3A_656 = arith.constant 80 : index
        %get3A_657 = tpu.vector_load %arg6[%get3A_654, %get3A_655, %get3A_656] {strides = array<i32>} : memref<4x200x128xf32, #tpu.memory_space<vmem>>, vector<1x1x16xf32>,
        %get3A_658 = vector.shape_cast %get3A_657 : vector<1x1x16xf32> to vector<16xf32>
        %add3A_659 = arith.addf %get3A_648, %get3A_658 : vector<16xf32>
        %mul3A_660 = arith.constant 4 : i32
        %mul3A_661 = arith.muli %mul3A_660, %scan3A_423 : i32
        %add3A_662 = arith.constant 2 : i32
        %add3A_663 = arith.addi %mul3A_661, %add3A_662 : i32
        %get3A_664 = arith.constant 3 : i32
        %get3A_665 = arith.index_cast %get3A_664 : i32 to index
        %get3A_666 = arith.index_cast %add3A_663 : i32 to index
        %get3A_667 = arith.constant 80 : index
        %get3A_668 = tpu.vector_load %arg6[%get3A_665, %get3A_666, %get3A_667] {strides = array<i32>} : memref<4x200x128xf32, #tpu.memory_space<vmem>>, vector<1x1x16xf32>,
        %get3A_669 = vector.shape_cast %get3A_668 : vector<1x1x16xf32> to vector<16xf32>
        %mul3A_670 = arith.constant 4 : i32
        %mul3A_671 = arith.muli %mul3A_670, %scan3A_423 : i32
        %add3A_672 = arith.constant 3 : i32
        %add3A_673 = arith.addi %mul3A_671, %add3A_672 : i32
        %get3A_674 = arith.constant 3 : i32
        %get3A_675 = arith.index_cast %get3A_674 : i32 to index
        %get3A_676 = arith.index_cast %add3A_673 : i32 to index
        %get3A_677 = arith.constant 80 : index
        %get3A_678 = tpu.vector_load %arg6[%get3A_675, %get3A_676, %get3A_677] {strides = array<i32>} : memref<4x200x128xf32, #tpu.memory_space<vmem>>, vector<1x1x16xf32>,
        %get3A_679 = vector.shape_cast %get3A_678 : vector<1x1x16xf32> to vector<16xf32>
        %add3A_680 = arith.addf %get3A_669, %get3A_679 : vector<16xf32>
        %add3A_681 = arith.addf %add3A_659, %add3A_680 : vector<16xf32>
        %add3A_682 = arith.addf %scan3A_429, %add3A_681 : vector<16xf32>
        %mul3A_683 = arith.constant 4 : i32
        %mul3A_684 = arith.muli %mul3A_683, %scan3A_423 : i32
        %get3A_685 = arith.constant 3 : i32
        %get3A_686 = arith.index_cast %get3A_685 : i32 to index
        %get3A_687 = arith.index_cast %mul3A_684 : i32 to index
        %get3A_688 = arith.constant 96 : index
        %get3A_689 = tpu.vector_load %arg6[%get3A_686, %get3A_687, %get3A_688] {strides = array<i32>} : memref<4x200x128xf32, #tpu.memory_space<vmem>>, vector<1x1x16xf32>,
        %get3A_690 = vector.shape_cast %get3A_689 : vector<1x1x16xf32> to vector<16xf32>
        %mul3A_691 = arith.constant 4 : i32
        %mul3A_692 = arith.muli %mul3A_691, %scan3A_423 : i32
        %add3A_693 = arith.constant 1 : i32
        %add3A_694 = arith.addi %mul3A_692, %add3A_693 : i32
        %get3A_695 = arith.constant 3 : i32
        %get3A_696 = arith.index_cast %get3A_695 : i32 to index
        %get3A_697 = arith.index_cast %add3A_694 : i32 to index
        %get3A_698 = arith.constant 96 : index
        %get3A_699 = tpu.vector_load %arg6[%get3A_696, %get3A_697, %get3A_698] {strides = array<i32>} : memref<4x200x128xf32, #tpu.memory_space<vmem>>, vector<1x1x16xf32>,
        %get3A_700 = vector.shape_cast %get3A_699 : vector<1x1x16xf32> to vector<16xf32>
        %add3A_701 = arith.addf %get3A_690, %get3A_700 : vector<16xf32>
        %mul3A_702 = arith.constant 4 : i32
        %mul3A_703 = arith.muli %mul3A_702, %scan3A_423 : i32
        %add3A_704 = arith.constant 2 : i32
        %add3A_705 = arith.addi %mul3A_703, %add3A_704 : i32
        %get3A_706 = arith.constant 3 : i32
        %get3A_707 = arith.index_cast %get3A_706 : i32 to index
        %get3A_708 = arith.index_cast %add3A_705 : i32 to index
        %get3A_709 = arith.constant 96 : index
        %get3A_710 = tpu.vector_load %arg6[%get3A_707, %get3A_708, %get3A_709] {strides = array<i32>} : memref<4x200x128xf32, #tpu.memory_space<vmem>>, vector<1x1x16xf32>,
        %get3A_711 = vector.shape_cast %get3A_710 : vector<1x1x16xf32> to vector<16xf32>
        %mul3A_712 = arith.constant 4 : i32
        %mul3A_713 = arith.muli %mul3A_712, %scan3A_423 : i32
        %add3A_714 = arith.constant 3 : i32
        %add3A_715 = arith.addi %mul3A_713, %add3A_714 : i32
        %get3A_716 = arith.constant 3 : i32
        %get3A_717 = arith.index_cast %get3A_716 : i32 to index
        %get3A_718 = arith.index_cast %add3A_715 : i32 to index
        %get3A_719 = arith.constant 96 : index
        %get3A_720 = tpu.vector_load %arg6[%get3A_717, %get3A_718, %get3A_719] {strides = array<i32>} : memref<4x200x128xf32, #tpu.memory_space<vmem>>, vector<1x1x16xf32>,
        %get3A_721 = vector.shape_cast %get3A_720 : vector<1x1x16xf32> to vector<16xf32>
        %add3A_722 = arith.addf %get3A_711, %get3A_721 : vector<16xf32>
        %add3A_723 = arith.addf %add3A_701, %add3A_722 : vector<16xf32>
        %add3A_724 = arith.addf %scan3A_430, %add3A_723 : vector<16xf32>
        %mul3A_725 = arith.constant 4 : i32
        %mul3A_726 = arith.muli %mul3A_725, %scan3A_423 : i32
        %get3A_727 = arith.constant 3 : i32
        %get3A_728 = arith.index_cast %get3A_727 : i32 to index
        %get3A_729 = arith.index_cast %mul3A_726 : i32 to index
        %get3A_730 = arith.constant 112 : index
        %get3A_731 = tpu.vector_load %arg6[%get3A_728, %get3A_729, %get3A_730] {strides = array<i32>} : memref<4x200x128xf32, #tpu.memory_space<vmem>>, vector<1x1x16xf32>,
        %get3A_732 = vector.shape_cast %get3A_731 : vector<1x1x16xf32> to vector<16xf32>
        %mul3A_733 = arith.constant 4 : i32
        %mul3A_734 = arith.muli %mul3A_733, %scan3A_423 : i32
        %add3A_735 = arith.constant 1 : i32
        %add3A_736 = arith.addi %mul3A_734, %add3A_735 : i32
        %get3A_737 = arith.constant 3 : i32
        %get3A_738 = arith.index_cast %get3A_737 : i32 to index
        %get3A_739 = arith.index_cast %add3A_736 : i32 to index
        %get3A_740 = arith.constant 112 : index
        %get3A_741 = tpu.vector_load %arg6[%get3A_738, %get3A_739, %get3A_740] {strides = array<i32>} : memref<4x200x128xf32, #tpu.memory_space<vmem>>, vector<1x1x16xf32>,
        %get3A_742 = vector.shape_cast %get3A_741 : vector<1x1x16xf32> to vector<16xf32>
        %add3A_743 = arith.addf %get3A_732, %get3A_742 : vector<16xf32>
        %mul3A_744 = arith.constant 4 : i32
        %mul3A_745 = arith.muli %mul3A_744, %scan3A_423 : i32
        %add3A_746 = arith.constant 2 : i32
        %add3A_747 = arith.addi %mul3A_745, %add3A_746 : i32
        %get3A_748 = arith.constant 3 : i32
        %get3A_749 = arith.index_cast %get3A_748 : i32 to index
        %get3A_750 = arith.index_cast %add3A_747 : i32 to index
        %get3A_751 = arith.constant 112 : index
        %get3A_752 = tpu.vector_load %arg6[%get3A_749, %get3A_750, %get3A_751] {strides = array<i32>} : memref<4x200x128xf32, #tpu.memory_space<vmem>>, vector<1x1x16xf32>,
        %get3A_753 = vector.shape_cast %get3A_752 : vector<1x1x16xf32> to vector<16xf32>
        %mul3A_754 = arith.constant 4 : i32
        %mul3A_755 = arith.muli %mul3A_754, %scan3A_423 : i32
        %add3A_756 = arith.constant 3 : i32
        %add3A_757 = arith.addi %mul3A_755, %add3A_756 : i32
        %get3A_758 = arith.constant 3 : i32
        %get3A_759 = arith.index_cast %get3A_758 : i32 to index
        %get3A_760 = arith.index_cast %add3A_757 : i32 to index
        %get3A_761 = arith.constant 112 : index
        %get3A_762 = tpu.vector_load %arg6[%get3A_759, %get3A_760, %get3A_761] {strides = array<i32>} : memref<4x200x128xf32, #tpu.memory_space<vmem>>, vector<1x1x16xf32>,
        %get3A_763 = vector.shape_cast %get3A_762 : vector<1x1x16xf32> to vector<16xf32>
        %add3A_764 = arith.addf %get3A_753, %get3A_763 : vector<16xf32>
        %add3A_765 = arith.addf %add3A_743, %add3A_764 : vector<16xf32>
        %add3A_766 = arith.addf %scan3A_431, %add3A_765 : vector<16xf32>
        scf.yield %add3A_472, %add3A_514, %add3A_556, %add3A_598, %add3A_640, %add3A_682, %add3A_724, %add3A_766 : vector<16xf32>, vector<16xf32>, vector<16xf32>, vector<16xf32>, vector<16xf32>, vector<16xf32>, vector<16xf32>, vector<16xf32>
      }
      %scan3A_382 = arith.constant 50 : i32
      %swap3A_383 = arith.index_cast %add3A_336 : i32 to index
      %swap3A_384 = arith.constant 0 : index
      %swap3A_385 = tpu.vector_load %arg7[%swap3A_383, %swap3A_384] {strides = array<i32>} : memref<32x128xf32, #tpu.memory_space<vmem>>, vector<1x16xf32>,
      %swap3A_386 = vector.shape_cast %swap3A_385 : vector<1x16xf32> to vector<16xf32>
      %swap3A_387 = vector.shape_cast %scan3A_381#0 : vector<16xf32> to vector<1x16xf32>
      tpu.vector_store %arg7[%swap3A_383, %swap3A_384], %swap3A_387 {strides = array<i32>} : memref<32x128xf32, #tpu.memory_space<vmem>>, vector<1x16xf32>,
      %swap3A_388 = arith.index_cast %add3A_336 : i32 to index
      %swap3A_389 = arith.constant 16 : index
      %swap3A_390 = tpu.vector_load %arg7[%swap3A_388, %swap3A_389] {strides = array<i32>} : memref<32x128xf32, #tpu.memory_space<vmem>>, vector<1x16xf32>,
      %swap3A_391 = vector.shape_cast %swap3A_390 : vector<1x16xf32> to vector<16xf32>
      %swap3A_392 = vector.shape_cast %scan3A_381#1 : vector<16xf32> to vector<1x16xf32>
      tpu.vector_store %arg7[%swap3A_388, %swap3A_389], %swap3A_392 {strides = array<i32>} : memref<32x128xf32, #tpu.memory_space<vmem>>, vector<1x16xf32>,
      %swap3A_393 = arith.index_cast %add3A_336 : i32 to index
      %swap3A_394 = arith.constant 32 : index
      %swap3A_395 = tpu.vector_load %arg7[%swap3A_393, %swap3A_394] {strides = array<i32>} : memref<32x128xf32, #tpu.memory_space<vmem>>, vector<1x16xf32>,
      %swap3A_396 = vector.shape_cast %swap3A_395 : vector<1x16xf32> to vector<16xf32>
      %swap3A_397 = vector.shape_cast %scan3A_381#2 : vector<16xf32> to vector<1x16xf32>
      tpu.vector_store %arg7[%swap3A_393, %swap3A_394], %swap3A_397 {strides = array<i32>} : memref<32x128xf32, #tpu.memory_space<vmem>>, vector<1x16xf32>,
      %swap3A_398 = arith.index_cast %add3A_336 : i32 to index
      %swap3A_399 = arith.constant 48 : index
      %swap3A_400 = tpu.vector_load %arg7[%swap3A_398, %swap3A_399] {strides = array<i32>} : memref<32x128xf32, #tpu.memory_space<vmem>>, vector<1x16xf32>,
      %swap3A_401 = vector.shape_cast %swap3A_400 : vector<1x16xf32> to vector<16xf32>
      %swap3A_402 = vector.shape_cast %scan3A_381#3 : vector<16xf32> to vector<1x16xf32>
      tpu.vector_store %arg7[%swap3A_398, %swap3A_399], %swap3A_402 {strides = array<i32>} : memref<32x128xf32, #tpu.memory_space<vmem>>, vector<1x16xf32>,
      %swap3A_403 = arith.index_cast %add3A_336 : i32 to index
      %swap3A_404 = arith.constant 64 : index
      %swap3A_405 = tpu.vector_load %arg7[%swap3A_403, %swap3A_404] {strides = array<i32>} : memref<32x128xf32, #tpu.memory_space<vmem>>, vector<1x16xf32>,
      %swap3A_406 = vector.shape_cast %swap3A_405 : vector<1x16xf32> to vector<16xf32>
      %swap3A_407 = vector.shape_cast %scan3A_381#4 : vector<16xf32> to vector<1x16xf32>
      tpu.vector_store %arg7[%swap3A_403, %swap3A_404], %swap3A_407 {strides = array<i32>} : memref<32x128xf32, #tpu.memory_space<vmem>>, vector<1x16xf32>,
      %swap3A_408 = arith.index_cast %add3A_336 : i32 to index
      %swap3A_409 = arith.constant 80 : index
      %swap3A_410 = tpu.vector_load %arg7[%swap3A_408, %swap3A_409] {strides = array<i32>} : memref<32x128xf32, #tpu.memory_space<vmem>>, vector<1x16xf32>,
      %swap3A_411 = vector.shape_cast %swap3A_410 : vector<1x16xf32> to vector<16xf32>
      %swap3A_412 = vector.shape_cast %scan3A_381#5 : vector<16xf32> to vector<1x16xf32>
      tpu.vector_store %arg7[%swap3A_408, %swap3A_409], %swap3A_412 {strides = array<i32>} : memref<32x128xf32, #tpu.memory_space<vmem>>, vector<1x16xf32>,
      %swap3A_413 = arith.index_cast %add3A_336 : i32 to index
      %swap3A_414 = arith.constant 96 : index
      %swap3A_415 = tpu.vector_load %arg7[%swap3A_413, %swap3A_414] {strides = array<i32>} : memref<32x128xf32, #tpu.memory_space<vmem>>, vector<1x16xf32>,
      %swap3A_416 = vector.shape_cast %swap3A_415 : vector<1x16xf32> to vector<16xf32>
      %swap3A_417 = vector.shape_cast %scan3A_381#6 : vector<16xf32> to vector<1x16xf32>
      tpu.vector_store %arg7[%swap3A_413, %swap3A_414], %swap3A_417 {strides = array<i32>} : memref<32x128xf32, #tpu.memory_space<vmem>>, vector<1x16xf32>,
      %swap3A_418 = arith.index_cast %add3A_336 : i32 to index
      %swap3A_419 = arith.constant 112 : index
      %swap3A_420 = tpu.vector_load %arg7[%swap3A_418, %swap3A_419] {strides = array<i32>} : memref<32x128xf32, #tpu.memory_space<vmem>>, vector<1x16xf32>,
      %swap3A_421 = vector.shape_cast %swap3A_420 : vector<1x16xf32> to vector<16xf32>
      %swap3A_422 = vector.shape_cast %scan3A_381#7 : vector<16xf32> to vector<1x16xf32>
      tpu.vector_store %arg7[%swap3A_418, %swap3A_419], %swap3A_422 {strides = array<i32>} : memref<32x128xf32, #tpu.memory_space<vmem>>, vector<1x16xf32>,
    }
    %scan3A_68 = arith.constant 8 : i32
    "tpu.region"() ({
      %run_scoped3A = tpu.sem_alloc : memref<!tpu.dma_semaphore, #tpu.memory_space<semaphore_mem>>
      %dma_start3A_69 = arith.constant 0 : i32
      %dma_start3A_70 = tpu.memref_slice %arg4[%mul3A_2, %dma_start3A_69] : memref<1024x128xf32, #tpu.memory_space<hbm>> -> memref<32x128xf32, #tpu.memory_space<hbm>>
      %dma_start3A_71 = arith.constant 0 : i32
      %dma_start3A_72 = tpu.memref_slice %arg4[%mul3A_2, %dma_start3A_71] : memref<1024x128xf32, #tpu.memory_space<hbm>> -> memref<32x128xf32, #tpu.memory_space<hbm>>
      tpu.enqueue_dma source(%arg7 : memref<32x128xf32, #tpu.memory_space<vmem>>) target(%dma_start3A_72 : memref<32x128xf32, #tpu.memory_space<hbm>>) target_semaphore(%run_scoped3A : memref<!tpu.dma_semaphore, #tpu.memory_space<semaphore_mem>>)
      %dma_wait3A = arith.constant 0 : i32
      %dma_wait3A_73 = tpu.memref_slice %arg4[%mul3A_2, %dma_wait3A] : memref<1024x128xf32, #tpu.memory_space<hbm>> -> memref<32x128xf32, #tpu.memory_space<hbm>>
      %dma_wait3A_74 = arith.constant 0 : i32
      %dma_wait3A_75 = tpu.memref_slice %arg4[%mul3A_2, %dma_wait3A_74] : memref<1024x128xf32, #tpu.memory_space<hbm>> -> memref<32x128xf32, #tpu.memory_space<hbm>>
      tpu.wait_dma2 semaphore(%run_scoped3A : memref<!tpu.dma_semaphore, #tpu.memory_space<semaphore_mem>>) src(%arg7 : memref<32x128xf32, #tpu.memory_space<vmem>>) dst(%dma_wait3A_75 : memref<32x128xf32, #tpu.memory_space<hbm>>)
      tpu.yield
    }) : () -> ()
    return
  }
}

module attributes {stable_mosaic.version = 14 : i64} {
  func.func @_dense_tc(%arg0: memref<1024x128xf32, #tpu.memory_space<vmem>>, %arg1: memref<50x128xf32, #tpu.memory_space<vmem>>, %arg2: memref<1x50xf32, #tpu.memory_space<vmem>>, %arg3: memref<1024x50xf32, #tpu.memory_space<vmem>>) attributes {dimension_semantics = [], scalar_prefetch = 0 : i64, scratch_operands = 0 : i64, tpu.core_type = #tpu.core_type<tc>} {
    %get3A = arith.constant 0 : index
    %get3A_0 = arith.constant 0 : index
    %get3A_1 = vector.load %arg0[%get3A, %get3A_0] : memref<1024x128xf32, #tpu.memory_space<vmem>>, vector<1024x128xf32>
    %get3A_2 = arith.constant 0 : index
    %get3A_3 = arith.constant 0 : index
    %get3A_4 = vector.load %arg1[%get3A_2, %get3A_3] : memref<50x128xf32, #tpu.memory_space<vmem>>, vector<50x128xf32>
    %dot_general3A = arith.constant dense<0.000000e+00> : vector<1024x50xf32>
    %dot_general3A_5 = tpu.matmul %get3A_1, %get3A_4, %dot_general3A {dimension_numbers = #tpu.dot_dimension_numbers<[1], [1], [0], [0], [0, 0, 1, 0], [], []>, transpose_lhs_hint = false} : vector<1024x128xf32>, vector<50x128xf32>, vector<1024x50xf32> -> vector<1024x50xf32>
    %get3A_6 = arith.constant 0 : index
    %get3A_7 = arith.constant 0 : index
    %get3A_8 = vector.load %arg2[%get3A_6, %get3A_7] : memref<1x50xf32, #tpu.memory_space<vmem>>, vector<1x50xf32>
    %add3A = vector.broadcast %get3A_8 : vector<1x50xf32> to vector<1024x50xf32>
    %add3A_9 = arith.addf %dot_general3A_5, %add3A : vector<1024x50xf32>
    %swap3A = arith.constant 0 : index
    %swap3A_10 = arith.constant 0 : index
    %swap3A_11 = vector.load %arg3[%swap3A, %swap3A_10] : memref<1024x50xf32, #tpu.memory_space<vmem>>, vector<1024x50xf32>
    tpu.vector_store %arg3[%swap3A, %swap3A_10], %add3A_9 {strides = array<i32>} : memref<1024x50xf32, #tpu.memory_space<vmem>>, vector<1024x50xf32>,
    return
  }
}

</mosaic_0001>

<sc_bundles>
// kernel: kernel.4.cloned.1.call-start
scs
__scs_entry_jumppad:
0x0: {  	(pc) =	sbr.rel $0x88, $3  }
0x1: {  	(tag) =	ssettag $0x0;
	lr =	simm.s32 $0x1  }
0x2: {  	[smem:$0x3F9D] =	sst lr;
	_ =	strace $0xD0000000  }
0x3: {  	_ = 	snop  }
0x4: {  	_ = 	snop  }
0x5: {  	_ = 	snop  }
0x6: {  	_ = 	snop  }
0x7: {  	_ = 	snop  }
__scs_overlays_trampoline_lowered:
0x8: {  	[smem:$0x3FAC] =	sst s0  }
0x9: {  	[smem:$0x3FAD] =	sst s1  }
0xa: {  	[smem:$0x3FAE] =	sst s2  }
0xb: {  	[smem:$0x3FAF] =	sst s3  }
0xc: {  	[smem:$0x3FB0] =	sst s4  }
0xd: {  	[smem:$0x3FB1] =	sst s5  }
0xe: {  	[smem:$0x3FB2] =	sst s6  }
0xf: {  	[smem:$0x3FB3] =	sst s7  }
0x10: {  	[smem:$0x3FB4] =	sst s8  }
0x11: {  	[smem:$0x3FB5] =	sst s9;
	s0 =	simm.s32 @!p0 $0x0  }
0x12: {  	s1 =	sld [smem:$0x3F9B];
	s0 =	simm.s32 @p0 $0x1  }
0x13: {  	[smem:$0x3FB6] =	sst s0;
	s0 =	simm.s32 @!p1 $0x0  }
0x14: {  	s2 =	sld [smem:$0x3F9A];
	s0 =	simm.s32 @p1 $0x1  }
0x15: {  	[smem:$0x3FB7] =	sst s0;
	s0 =	simm.s32 @!p2 $0x0  }
0x16: {  	s3 =	sld [smem:$0x3FDB];
	s0 =	simm.s32 @p2 $0x1  }
0x17: {  	s4 =	simm.s32 $0x1BF5;
	[smem:$0x3FB9] =	sst s0  }
0x18: {  	s0 =	sld [smem:$0x3F9C];
	_ =	swait.ge [sflag:s4], $0x0  }
0x19: {  	s7 =	sld [smem:$0x3F9D]  }
0x1a: {  	s8 =	sadd.s32 $0xFFFFE003, lr  }
0x1b: {  	s9 =	sadd.s32 $0xFFFFFEF7, lr;
	s5 =	simm.s32 $0xFFFFFFFF;
	p2 =	slt.u32 s8, $0xFFFFF086  }
0x1c: {  	p1 =	slt.u32 s9, $0xF7A;
	s5 =	simm.s32 @!p2 $0x0  }
0x1d: {  	s5 =	simm.s32 @p1 $0x1;
	p0 =	seq.s32 s7, s2  }
0x1e: {  	s7 =	smul.u32 @!p0 $0xF7A, s2;
	p2 =	seq.s32 @!p0 s5, $0x0  }
0x1f: {  	s9 =	smul.u32 $0xF7A, s1;
	s8 =	simm.s32 @!p0 $0x1BF5;
	p2 =	por !p2, p0  }
0x20: {  	[sflag:s8] =	ssyncset.s32 @!p0 $0xFFFFF086;
	s6 =	sadd.s32 @!p0 s3, s7;
	s7 =	simm.s32 @!p0 $0x108  }
0x21: {  	s3 =	sadd.s32 s3, s9;
	s6 =	sadd.s32 @!p0 $0x88, s6;
	s7 =	simm.s32 @p2 $0x1082  }
0x22: {  	[simem:s7], [sflag:s8] =	dma.local @!p0 [hbm:s6], $0xF7A  }
0x23: {  	s9 =	sor.u32 $0xD0000000, s2;
	s6 =	simm.s32 $0x108;
	_ =	swait.ge @!p0 [sflag:s8], $0x0  }
0x24: {  	s3 =	sadd.s32 $0x88, s3;
	s6 =	simm.s32 @!p1 $0x1082;
	[sflag:s4] =	ssyncset.s32 $0xFFFFF086  }
0x25: {  	[simem:s6], [sflag:s4] =	dma.local [hbm:s3], $0xF7A  }
0x26: {  	[smem:$0x3F9D] =	sst s1;
	(tag) =	ssettag s2;
	_ =	strace s9  }
0x27: {  	s1 =	sld [smem:$0x3FAD]  }
0x28: {  	s2 =	sld [smem:$0x3FAE]  }
0x29: {  	s4 =	sld [smem:$0x3FB0]  }
0x2a: {  	p0 =	seq.s32 s5, $0x0;
	s5 =	sld [smem:$0x3FB1]  }
0x2b: {  	s6 =	sld [smem:$0x3FB2]  }
0x2c: {  	s7 =	sld [smem:$0x3FB3]  }
0x2d: {  	s3 =	simm.s32 $0x108;
	s8 =	sld [smem:$0x3FB4]  }
0x2e: {  	s3 =	simm.s32 @!p0 $0x1082;
	s9 =	sld [smem:$0x3FB5]  }
0x2f: {  	lr =	sadd.s32 s0, s3;
	s0 =	sld [smem:$0x3FAC]  }
0x30: {  	s3 =	sld [smem:$0x3FAF]  }
0x31: {  	[smem:$0x3FB8] =	sst s10  }
0x32: {  	s10 =	sld [smem:$0x3FB6];
	_ =	sdelay $0x3  }
0x33: {  	p0 =	seq.s32 s10, $0x1;
	s10 =	sld [smem:$0x3FB8];
	_ =	sdelay $0x3  }
0x34: {  	[smem:$0x3FB8] =	sst s10  }
0x35: {  	s10 =	sld [smem:$0x3FB7];
	_ =	sdelay $0x3  }
0x36: {  	p1 =	seq.s32 s10, $0x1;
	s10 =	sld [smem:$0x3FB8];
	_ =	sdelay $0x3  }
0x37: {  	[smem:$0x3FB8] =	sst s10  }
0x38: {  	s10 =	sld [smem:$0x3FB9]  }
0x39: {  	_ = 	snop;
	(pc) =	sbr.ind lr, $3  }
0x3a: {  	_ = 	snop  }
0x3b: {  	_ = 	snop  }
0x3c: {  	p2 =	seq.s32 s10, $0x1;
	s10 =	sld [smem:$0x3FB8]  }
0x3d: {  	_ =	shalt  }
0x3e: {  	_ =	shalt  }
0x3f: {  	_ =	shalt  }
0x40: {  	_ =	shalt  }
0x41: {  	_ =	shalt  }
0x42: {  	_ =	shalt  }
0x43: {  	_ =	shalt  }
0x44: {  	_ =	shalt  }
0x45: {  	_ =	shalt  }
0x46: {  	_ =	shalt  }
0x47: {  	_ =	shalt  }
0x48: {  	_ =	shalt  }
0x49: {  	_ =	shalt  }
0x4a: {  	_ =	shalt  }
0x4b: {  	_ =	shalt  }
0x4c: {  	_ =	shalt  }
0x4d: {  	_ =	shalt  }
0x4e: {  	_ =	shalt  }
0x4f: {  	_ =	shalt  }
0x50: {  	_ =	shalt  }
0x51: {  	_ =	shalt  }
0x52: {  	_ =	shalt  }
0x53: {  	_ =	shalt  }
0x54: {  	_ =	shalt  }
0x55: {  	_ =	shalt  }
0x56: {  	_ =	shalt  }
0x57: {  	_ =	shalt  }
0x58: {  	_ =	shalt  }
0x59: {  	_ =	shalt  }
0x5a: {  	_ =	shalt  }
0x5b: {  	_ =	shalt  }
0x5c: {  	_ =	shalt  }
0x5d: {  	_ =	shalt  }
0x5e: {  	_ =	shalt  }
0x5f: {  	_ =	shalt  }
0x60: {  	_ =	shalt  }
0x61: {  	_ =	shalt  }
0x62: {  	_ =	shalt  }
0x63: {  	_ =	shalt  }
0x64: {  	_ =	shalt  }
0x65: {  	_ =	shalt  }
0x66: {  	_ =	shalt  }
0x67: {  	_ =	shalt  }
0x68: {  	_ =	shalt  }
0x69: {  	_ =	shalt  }
0x6a: {  	_ =	shalt  }
0x6b: {  	_ =	shalt  }
0x6c: {  	_ =	shalt  }
0x6d: {  	_ =	shalt  }
0x6e: {  	_ =	shalt  }
0x6f: {  	_ =	shalt  }
0x70: {  	_ =	shalt  }
0x71: {  	_ =	shalt  }
0x72: {  	_ =	shalt  }
0x73: {  	_ =	shalt  }
0x74: {  	_ =	shalt  }
0x75: {  	_ =	shalt  }
0x76: {  	_ =	shalt  }
0x77: {  	_ =	shalt  }
0x78: {  	_ =	shalt  }
0x79: {  	_ =	shalt  }
0x7a: {  	_ =	shalt  }
0x7b: {  	_ =	shalt  }
0x7c: {  	_ =	shalt  }
0x7d: {  	_ =	shalt  }
0x7e: {  	_ =	shalt  }
0x7f: {  	_ =	shalt  }
0x80: {  	_ =	shalt  }
0x81: {  	_ =	shalt  }
0x82: {  	_ =	shalt  }
0x83: {  	_ =	shalt  }
0x84: {  	_ =	shalt  }
0x85: {  	_ =	shalt  }
0x86: {  	_ =	shalt  }
0x87: {  	_ =	shalt  }
.Lfunc_end0:
.L_simem_size_0:
called_computation_lowered:
.L_overlay_start_0:
0x88: {  	s2 =	sld [smem:$0x3FD9]  }
0x89: {  	s3 =	sld [smem:$0x3FFE];
	_ =	sdelay $0x1  }
0x8a: {  	s1 =	srdreg.scid  }
0x8b: {  	s0 =	sand.u32 $0x1, s1  }
0x8c: {  	s17 =	sshll.u32 s0, $0xA;
	s2 =	sadd.s32 s3, s2  }
0x8d: {  	s2 =	sadd.s32 s2, s17  }
0x8e: {  	[smem:$0x3FC4] =	sst s2  }
0x8f: {  	_ = 	snop  }
0x90: {  	s2 =	sld [smem:$0x3FC8];
	(tm) =	ssettm $0x1  }
0x91: {  	s18 =	sld [smem:$0x3FFB];
	_ =	sdelay $0x3  }
0x92: {  	_ =	strace s18  }
0x93: {  	s3 =	sld [smem:$0x3FFC];
	_ =	sdelay $0x3  }
0x94: {  	_ =	strace s3  }
0x95: {  	s3 =	sld [smem:$0x3FFD];
	_ =	sdelay $0x3  }
0x96: {  	_ =	strace s3  }
0x97: {  	_ =	strace $0x8FFFFFFF  }
0x98: {  	s19 =	sld [smem:$0x3FDB];
	_ =	sdelay $0x1  }
0x99: {  	s4 =	simm.s32 $_scs_section_size  }
0x9a: {  	s5 =	simm.s32 $_size__tile_overlayer_lowered;
	s6 =	simm.s32 $_tile_overlayer_lowered  }
0x9b: {  	s22 =	simm.s32 $0x1BFF;
	s21 =	sshll.u32 s6, $0x1;
	s3 =	sadd.s32 s4, s19  }
0x9c: {  	s7 =	simm.s32 $0x0;
	s20 =	sshll.u32 s5, $0x1;
	s5 =	sadd.s32 s21, s3  }
0x9d: {  	[timem:s7], [sflag:s22] =	dma.local [hbm:s5], s20  }
0x9e: {  	_ =	swait.ge [sflag:s22], s20  }
0x9f: {  	s4 =	ssub.s32 $0x0, s20;
	[sflag:s22] =	ssyncset.done $0x0  }
0xa0: {  	[sflag:s22] =	ssyncadd.s32 s4;
	_ =	sdelay $0x1  }
0xa1: {  	s23 =	simm.s32 $0x1B8B  }
0xa2: {  	_ =	swait.ge [sflag:s23], $0x1  }
0xa3: {  	[sflag:s23] =	ssyncset.done $0x0  }
0xa4: {  	s25 =	simm.s32 $0x1B8E;
	s24 =	sld [smem:$0x3FFE];
	[sflag:s23] =	ssyncadd.s32 $0xFFFFFFFF  }
0xa5: {  	s26 =	simm.s32 $execute0_lowered;
	[smem:$0x3FD2] =	sst s25  }
0xa6: {  	s5 =	sshll.u32 s26, $0x1;
	_ =	strace $0x80000046;
	[dreg:$0x1] =	wrdreg $0xFFFFFFFF  }
0xa7: {  	s28 =	simm.s32 $_size_execute0_lowered;
	s3 =	sadd.s32 s3, s5;
	[dreg:$0x0] =	wrdreg $0x0  }
0xa8: {  	s5 =	sshll.u32 s28, $0x1;
	[dreg:$0x2] =	wrdreg s3  }
0xa9: {  	[dreg:$0x3] =	wrdreg s5  }
0xaa: {  	[dreg:$0x4] =	wrdreg $0xC0  }
0xab: {  	_ =	task [dreg:s7], $0x5FFFF  }
0xac: {  	[dreg:$0x1] =	wrdreg $0xFFFFFFFF  }
0xad: {  	[dreg:$0x0] =	wrdreg $0x60  }
0xae: {  	[dreg:$0x2] =	wrdreg s24  }
0xaf: {  	[dreg:$0x3] =	wrdreg s2  }
0xb0: {  	[dreg:$0x4] =	wrdreg $0x9  }
0xb1: {  	_ =	task.clear_ibuf [dreg:s7], $0x5FFFF;
	_ =	strace $0x90000046  }
0xb2: {  	s29 =	simm.s32 $0x9;
	_ =	strace $0x80000048  }
0xb3: {  	_ =	swait.ge [sflag:s29], $0x1  }
0xb4: {  	[sflag:s29] =	ssyncadd.s32 $0xFFFFFFFF  }
0xb5: {  	_ =	strace $0x90000048  }
0xb6: {  	_ =	sfence  }
0xb7: {  	s30 =	sld [smem:$0x0];
	_ =	sdelay $0x2  }
0xb8: {  	s31 =	sshll.u32 s1, $0xD;
	s1 =	sshrl.u32 s1, $0x2  }
0xb9: {  	s3 =	sand.u32 $0x4000, s31;
	s1 =	sadd.s32 s1, s30  }
0xba: {  	s0 =	sor.u32 s3, s0;
	s1 =	sshll.u32 s1, $0x11  }
0xbb: {  	s0 =	sor.u32 s1, s0  }
0xbc: {  	s0 =	sadd.s32 $0x8F2B, s0  }
0xbd: {  	[sflag:s0] =	ssyncadd.remote.s32 $0x1  }
0xbe: {  	_ =	sfence.sel $0xFFFF  }
0xbf: {  	[dreg:$0x0] =	wrdreg $0xFFFFFFFF;
	(pc) =	sbr.abs _section_cstart, $3  }
0xc0: {  	[dreg:$0x1] =	wrdreg $0xFFFFFFFF  }
0xc1: {  	_ =	task.clear_ibuf [dreg:s7], $0x2FFFF;
	_ =	strace $0x9FFFFFFF  }
0xc2: {  	(tm) =	ssettm $0x7FFFFFFF  }
0xc3: {  	_ =	shalt  }
tec
execute0_lowered:
.L_overlay_start_1:
0x0: {  	(tag) =	ssettag $0x1  }
0x1: {  	s0 =	rddreg [dreg:$0x0]  }
0x2: {  	s1 =	srdreg.scid;
	s3 =	stileid.u32  }
0x3: {  	s2 =	rddreg [dreg:$0x1];
	s7 =	simm.s32 $0x5;
	s8 =	simm.s32 $0x68  }
0x4: {  	s10 =	simm.s32 $0x60;
	s12 =	simm.s32 $0xC8;
	s13 =	simm.s32 $0x7D00  }
0x5: {  	s14 =	simm.s32 $0x130;
	s15 =	simm.s32 $0xB100;
	s16 =	simm.s32 $0x190  }
0x6: {  	s17 =	simm.s32 $0xE100;
	s18 =	simm.s32 $0x1F8;
	s19 =	simm.s32 $0x11500  }
0x7: {  	s20 =	simm.s32 $0x14500;
	s21 =	simm.s32 $0x17900;
	s22 =	simm.s32 $0x1  }
0x8: {  	s23 =	simm.s32 $0x2;
	s24 =	simm.s32 $0x3;
	s25 =	simm.s32 $0x4  }
0x9: {  	s26 =	simm.s32 $0x1A900;
	s1 =	sand.u32 $0x1, s1;
	s4 =	sshll.u32 s3, $0x1  }
0xa: {  	s28 =	simm.s32 $0x0;
	s3 =	simm.s32 $0x0;
	s4 =	sor.u32 s1, s4  }
0xb: {  	[smem:$0x7FF] =	sst s3;
	s1 =	ssub.s32 $0x2, s1;
	s5 =	smul.u32 $0x320, s4  }
0xc: {  	_ =	strace $0x80000047;
	s4 =	sshll.u32 s4, $0x9;
	s6 =	sshrl.u32 s1, $0x1  }
0xd: {  	s1 =	ssub.s32 s1, s6;
	s5 =	sadd.s32 s5, s0;
	s0 =	sadd.s32 s4, s0  }
0xe: {  	s6 =	smax.u32 s1, $0x1;
	s4 =	sadd.s32 $0xA00, s5;
	s5 =	sadd.s32 $0x6E00, s0  }
.LBB2_1:
0xf: {  	[tilespmem:s3], [sflag:$0x5] =	stream.linear.gather [hbm4b:s4+s3], $0x1900, $0x38;
	[tilespmem:$0x1B900] =	vst v63  }
0x10: {  	_ =	swait.ge [sflag:s7], $0x1900  }
0x11: {  	[sflag:s7] =	ssyncset.done $0x0  }
0x12: {  	s0 =	simm.s32 $0x1900;
	[sflag:s7] =	ssyncadd.s32 $0xFFFFE700  }
0x13: {  	[tilespmem:s0], [sflag:$0x1] =	stream.indirect.gather [hbm4b:s2+s8], $0x80, s3, s8, $0xb8;
	[tilespmem:$0x1B900] =	vst v63  }
0x14: {  	s31 =	simm.s32 $0x4D00  }
0x15: {  	[tilespmem:s31], [sflag:$0x1] =	stream.indirect.gather [hbm4b:s2+s10], $0x80, s8, s10, $0xb8;
	[tilespmem:$0x1B900] =	vst v63  }
0x16: {  	_ = 	snop  }
0x17: {  	[tilespmem:s13], [sflag:$0x2] =	stream.indirect.gather [hbm4b:s2+s8], $0x80, s12, s8, $0xb8;
	[tilespmem:$0x1B900] =	vst v63  }
0x18: {  	_ = 	snop  }
0x19: {  	[tilespmem:s15], [sflag:$0x2] =	stream.indirect.gather [hbm4b:s2+s10], $0x80, s14, s10, $0xb8;
	[tilespmem:$0x1B900] =	vst v63  }
0x1a: {  	_ = 	snop  }
0x1b: {  	[tilespmem:s17], [sflag:$0x3] =	stream.indirect.gather [hbm4b:s2+s8], $0x80, s16, s8, $0xb8;
	[tilespmem:$0x1B900] =	vst v63  }
0x1c: {  	s29 =	simm.s32 $0x0  }
0x1d: {  	[tilespmem:s19], [sflag:$0x3] =	stream.indirect.gather [hbm4b:s2+s10], $0x80, s18, s10, $0xb8;
	[tilespmem:$0x1B900] =	vst v63  }
.LBB2_2:
0x1e: {  	s30 =	sshllo.u32 s29, $0x2  }
0x1f: {  	s0 =	smul.u32 $0x320, s30;
	_ =	sdelay $0x1  }
0x20: {  	s0 =	sshra.s32 s0, $0x2  }
0x21: {  	[tilespmem:s20], [sflag:$0x4] =	stream.indirect.gather [hbm4b:s2+s8], $0x80, s0, s8, $0xb8;
	[tilespmem:$0x1B900] =	vst v63  }
0x22: {  	s0 =	sadd.s32 $0x68, s0  }
0x23: {  	[tilespmem:s21], [sflag:$0x4] =	stream.indirect.gather [hbm4b:s2+s10], $0x80, s0, s10, $0xb8;
	[tilespmem:$0x1B900] =	vst v63  }
0x24: {  	_ =	swait.ge [sflag:s22], $0x6400  }
0x25: {  	[sflag:s22] =	ssyncset.done $0x0  }
0x26: {  	s31 =	simm.s32 $0x0;
	[sflag:s22] =	ssyncadd.s32 $0xFFFF9C00  }
0x27: {  	v0 =	vld [tilespmem:s31+$0x1970]  }
0x28: {  	v1 =	vld [tilespmem:s31+$0x19F0]  }
0x29: {  	v2 =	vld [tilespmem:s31+$0x1A70]  }
0x2a: {  	v3 =	vld [tilespmem:s31+$0x1AF0]  }
0x2b: {  	v4 =	vld [tilespmem:s31+$0x1900]  }
0x2c: {  	v5 =	vld [tilespmem:s31+$0x1980]  }
0x2d: {  	v6 =	vld [tilespmem:s31+$0x1A00]  }
0x2e: {  	v7 =	vld [tilespmem:s31+$0x1A80]  }
0x2f: {  	v8 =	vld [tilespmem:s31+$0x1910]  }
0x30: {  	v9 =	vld [tilespmem:s31+$0x1990]  }
0x31: {  	v10 =	vld [tilespmem:s31+$0x1A10]  }
0x32: {  	v11 =	vld [tilespmem:s31+$0x1A90]  }
0x33: {  	v12 =	vld [tilespmem:s31+$0x1920]  }
0x34: {  	v13 =	vld [tilespmem:s31+$0x19A0]  }
0x35: {  	v14 =	vld [tilespmem:s31+$0x1A20]  }
0x36: {  	v15 =	vld [tilespmem:s31+$0x1AA0]  }
0x37: {  	v16 =	vld [tilespmem:s31+$0x1930]  }
0x38: {  	v17 =	vld [tilespmem:s31+$0x19B0]  }
0x39: {  	v18 =	vld [tilespmem:s31+$0x1A30]  }
0x3a: {  	v19 =	vld [tilespmem:s31+$0x1AB0]  }
0x3b: {  	v20 =	vld [tilespmem:s31+$0x1940]  }
0x3c: {  	v0 =	vadd.f32 v1, v0;
	v1 =	vadd.f32 v3, v2;
	v2 =	vld [tilespmem:s31+$0x19C0]  }
0x3d: {  	v3 =	vadd.f32 v5, v4;
	v4 =	vadd.f32 v7, v6;
	v7 =	vld [tilespmem:s31+$0x1A40]  }
0x3e: {  	v5 =	vadd.f32 v9, v8;
	v6 =	vadd.f32 v11, v10;
	v8 =	vld [tilespmem:s31+$0x1AC0]  }
0x3f: {  	v9 =	vadd.f32 v13, v12;
	v10 =	vadd.f32 v15, v14;
	v11 =	vld [tilespmem:s31+$0x1950]  }
0x40: {  	v13 =	vld [tilespmem:s31+$0x19D0];
	v12 =	vadd.f32 v17, v16;
	v0 =	vadd.f32 v1, v0  }
0x41: {  	v14 =	vld [tilespmem:s31+$0x1AD0];
	v1 =	vadd.f32 v4, v3;
	v3 =	vadd.f32 v6, v5;
	v6 =	vimm.f32 $0.0e+00  }
0x42: {  	v4 =	vadd.f32 v10, v9;
	v10 =	vld [tilespmem:s31+$0x1A50];
	v0 =	vadd.f32 v0, v6  }
0x43: {  	v63 =	vld [tilespmem:s31+$0x19E0];
	v5 =	vadd.f32 v1, v6;
	v1 =	vadd.f32 v19, v18  }
0x44: {  	v15 =	vld [tilespmem:s31+$0x1960];
	v2 =	vadd.f32 v2, v20;
	v7 =	vadd.f32 v8, v7  }
0x45: {  	v9 =	vld [tilespmem:s31+$0x1A60];
	v3 =	vadd.f32 v3, v6;
	v4 =	vadd.f32 v4, v6  }
0x46: {  	s1 =	simm.s32 $0x200;
	v1 =	vadd.f32 v1, v12;
	v12 =	vld [tilespmem:s31+$0x1AE0];
	v7 =	vadd.f32 v7, v2  }
0x47: {  	v13 =	vadd.f32 v13, v11;
	v8 =	vld [tilespmem:s1+$0x1970];
	v14 =	vadd.f32 v14, v10  }
0x48: {  	v11 =	vld [tilespmem:s1+$0x1A70];
	v2 =	vadd.f32 v1, v6;
	v1 =	vadd.f32 v7, v6  }
0x49: {  	s0 =	simm.s32 $0x1000;
	v10 =	vld [tilespmem:s1+$0x19F0];
	v14 =	vadd.f32 v14, v13;
	v13 =	vadd.f32 v63, v15;
	v7 =	vimm.f32 $0.0e+00  }
.LBB2_3:
0x4a: {  	p0 =	sne.s32 s0, $0x18800;
	v15 =	vld [tilespmem:s1+$0x1AF0]  }
0x4b: {  	v16 =	vld [tilespmem:s1+$0x1900];
	v6 =	vadd.f32 v14, v6;
	v9 =	vadd.f32 v12, v9  }
0x4c: {  	v12 =	vld [tilespmem:s1+$0x1980]  }
0x4d: {  	v14 =	vld [tilespmem:s1+$0x1A00];
	v9 =	vadd.f32 v9, v13  }
0x4e: {  	v13 =	vld [tilespmem:s1+$0x1A80]  }
0x4f: {  	v8 =	vadd.f32 v10, v8;
	v17 =	vld [tilespmem:s1+$0x1910];
	v10 =	vadd.f32 v15, v11  }
0x50: {  	v7 =	vadd.f32 v9, v7;
	v11 =	vld [tilespmem:s1+$0x1990]  }
0x51: {  	v9 =	vadd.f32 v12, v16;
	v12 =	vld [tilespmem:s1+$0x1A10];
	v8 =	vadd.f32 v10, v8  }
0x52: {  	v10 =	vld [tilespmem:s1+$0x1A90]  }
0x53: {  	v13 =	vadd.f32 v13, v14;
	v14 =	vld [tilespmem:s1+$0x1920];
	v0 =	vadd.f32 v8, v0  }
0x54: {  	v8 =	vld [tilespmem:s1+$0x19A0]  }
0x55: {  	v9 =	vadd.f32 v13, v9;
	v11 =	vadd.f32 v11, v17;
	v13 =	vld [tilespmem:s1+$0x1A20]  }
0x56: {  	v15 =	vld [tilespmem:s1+$0x1AA0]  }
0x57: {  	v5 =	vadd.f32 v9, v5;
	v9 =	vadd.f32 v10, v12;
	v10 =	vld [tilespmem:s1+$0x1930]  }
0x58: {  	v12 =	vld [tilespmem:s1+$0x19B0]  }
0x59: {  	v9 =	vadd.f32 v9, v11;
	v8 =	vadd.f32 v8, v14;
	v11 =	vld [tilespmem:s1+$0x1A30]  }
0x5a: {  	v14 =	vld [tilespmem:s1+$0x1AB0]  }
0x5b: {  	v3 =	vadd.f32 v9, v3;
	v9 =	vadd.f32 v15, v13;
	v13 =	vld [tilespmem:s1+$0x1940]  }
0x5c: {  	v15 =	vld [tilespmem:s1+$0x19C0]  }
0x5d: {  	v8 =	vadd.f32 v9, v8;
	v9 =	vadd.f32 v12, v10;
	v10 =	vld [tilespmem:s1+$0x1A40]  }
0x5e: {  	v12 =	vld [tilespmem:s1+$0x1AC0]  }
0x5f: {  	v4 =	vadd.f32 v8, v4;
	v8 =	vadd.f32 v14, v11;
	v11 =	vld [tilespmem:s1+$0x1950]  }
0x60: {  	v14 =	vld [tilespmem:s1+$0x19D0]  }
0x61: {  	v8 =	vadd.f32 v8, v9;
	v9 =	vadd.f32 v15, v13;
	v13 =	vld [tilespmem:s1+$0x1A50]  }
0x62: {  	v15 =	vld [tilespmem:s1+$0x1AD0]  }
0x63: {  	v2 =	vadd.f32 v8, v2;
	v8 =	vadd.f32 v12, v10;
	v16 =	vld [tilespmem:s1+$0x1960]  }
0x64: {  	v17 =	vld [tilespmem:s1+$0x19E0]  }
.Ltmp0:
0x65: {  	v10 =	vadd.f32 v8, v9;
	v14 =	vadd.f32 v14, v11;
	v9 =	vld [tilespmem:s1+$0x1A60];
	(pc) =	sbr.rel @p0 .LBB2_3-.Ltmp0, $4  }
0x66: {  	v12 =	vld [tilespmem:s1+$0x1AE0];
	s1 =	sshra.s32 s0, $0x2  }
0x67: {  	v8 =	vld [tilespmem:s1+$0x1970];
	v1 =	vadd.f32 v10, v1;
	v13 =	vadd.f32 v15, v13  }
0x68: {  	v10 =	vld [tilespmem:s1+$0x19F0]  }
0x69: {  	s0 =	sadd.s32 $0x800, s0;
	v11 =	vld [tilespmem:s1+$0x1A70];
	v14 =	vadd.f32 v13, v14;
	v13 =	vadd.f32 v17, v16  }
0x6a: {  	v15 =	vld [tilespmem:s1+$0x1AF0]  }
0x6b: {  	v16 =	vld [tilespmem:s1+$0x1900]  }
0x6c: {  	v17 =	vld [tilespmem:s1+$0x1980]  }
0x6d: {  	v18 =	vld [tilespmem:s1+$0x1A00]  }
0x6e: {  	v19 =	vld [tilespmem:s1+$0x1A80]  }
0x6f: {  	v20 =	vld [tilespmem:s1+$0x1910]  }
0x70: {  	v21 =	vld [tilespmem:s1+$0x1990]  }
0x71: {  	v22 =	vld [tilespmem:s1+$0x1A10]  }
0x72: {  	v23 =	vld [tilespmem:s1+$0x1A90]  }
0x73: {  	v24 =	vld [tilespmem:s1+$0x1920]  }
0x74: {  	v25 =	vld [tilespmem:s1+$0x19A0]  }
0x75: {  	v26 =	vld [tilespmem:s1+$0x1A20]  }
0x76: {  	v27 =	vld [tilespmem:s1+$0x1AA0]  }
0x77: {  	v28 =	vld [tilespmem:s1+$0x1930]  }
0x78: {  	v29 =	vld [tilespmem:s1+$0x19B0]  }
0x79: {  	v30 =	vld [tilespmem:s1+$0x1A30]  }
0x7a: {  	v31 =	vld [tilespmem:s1+$0x1AB0]  }
0x7b: {  	v32 =	vld [tilespmem:s1+$0x1940]  }
0x7c: {  	v33 =	vld [tilespmem:s1+$0x19C0]  }
0x7d: {  	v34 =	vld [tilespmem:s1+$0x1A40];
	v9 =	vadd.f32 v12, v9  }
0x7e: {  	v48 =	vld [tilespmem:s1+$0x1950];
	v6 =	vadd.f32 v14, v6  }
0x7f: {  	v50 =	vld [tilespmem:s1+$0x1AD0];
	v9 =	vadd.f32 v9, v13;
	v8 =	vadd.f32 v10, v8  }
0x80: {  	v53 =	vld [tilespmem:s1+$0x1960];
	v14 =	vadd.f32 v17, v16;
	v47 =	vadd.f32 v19, v18  }
0x81: {  	v12 =	vld [tilespmem:s1+$0x1AC0];
	v11 =	vadd.f32 v15, v11;
	v15 =	vadd.f32 v21, v20  }
0x82: {  	v54 =	vld [tilespmem:s1+$0x1A60];
	v49 =	vadd.f32 v23, v22;
	v51 =	vadd.f32 v25, v24  }
0x83: {  	v52 =	vadd.f32 v27, v26;
	v7 =	vadd.f32 v9, v7;
	v9 =	vld [tilespmem:s1+$0x19E0]  }
0x84: {  	v57 =	vld [tilespmem:s1+$0x1AE0];
	v55 =	vadd.f32 v29, v28;
	v13 =	vadd.f32 v47, v14  }
0x85: {  	v10 =	vld [tilespmem:s1+$0x19D0];
	v56 =	vadd.f32 v31, v30;
	v58 =	vadd.f32 v33, v32  }
0x86: {  	v12 =	vadd.f32 v12, v34;
	v14 =	vld [tilespmem:s1+$0x1A50];
	v5 =	vadd.f32 v13, v5  }
0x87: {  	v13 =	vadd.f32 v49, v15;
	v15 =	vadd.f32 v52, v51  }
0x88: {  	v12 =	vadd.f32 v12, v58;
	v9 =	vadd.f32 v9, v53  }
0x89: {  	s0 =	sshll.u32 s29, $0x9;
	v3 =	vadd.f32 v13, v3;
	v4 =	vadd.f32 v15, v4  }
0x8a: {  	s31 =	sand.u32 $0x3FFFFE00, s0;
	v13 =	vadd.f32 v56, v55;
	v15 =	vadd.f32 v57, v54  }
0x8b: {  	v10 =	vadd.f32 v10, v48;
	[tilespmem:s31+$0x1A900] =	vst v5;
	v14 =	vadd.f32 v50, v14  }
0x8c: {  	v2 =	vadd.f32 v13, v2;
	[tilespmem:s31+$0x1A910] =	vst v3;
	v3 =	vadd.f32 v15, v9  }
0x8d: {  	v1 =	vadd.f32 v12, v1;
	[tilespmem:s31+$0x1A920] =	vst v4;
	v4 =	vadd.f32 v11, v8  }
0x8e: {  	p0 =	seq.s32 s29, $0x7;
	v5 =	vadd.f32 v14, v10;
	[tilespmem:s31+$0x1A930] =	vst v2;
	v2 =	vadd.f32 v3, v7  }
0x8f: {  	s0 =	smul.u32 @!p0 $0xC80, s29;
	[tilespmem:s31+$0x1A940] =	vst v1;
	v0 =	vadd.f32 v4, v0  }
0x90: {  	v5 =	vadd.f32 v5, v6;
	[tilespmem:s31+$0x1A960] =	vst v2  }
0x91: {  	s1 =	sshra.s32 @!p0 s0, $0x2;
	[tilespmem:s31+$0x1A970] =	vst v0  }
0x92: {  	s9 =	simm.s32 @!p0 $0x68;
	s11 =	simm.s32 @!p0 $0x1900;
	s0 =	sadd.s32 @!p0 $0x320, s1;
	[tilespmem:s31+$0x1A950] =	vst v5  }
0x93: {  	[tilespmem:s11], [sflag:$0x1] =	stream.indirect.gather @!p0 [hbm4b:s2+s9], $0x80, s0, s9, $0xb8;
	[tilespmem:$0x1B900] =	vst v63  }
0x94: {  	s0 =	sadd.s32 @!p0 $0x388, s1;
	s9 =	simm.s32 @!p0 $0x60;
	s11 =	simm.s32 @!p0 $0x4D00  }
0x95: {  	[tilespmem:s11], [sflag:$0x1] =	stream.indirect.gather @!p0 [hbm4b:s2+s9], $0x80, s0, s9, $0xb8;
	[tilespmem:$0x1B900] =	vst v63  }
0x96: {  	_ =	swait.ge [sflag:s23], $0x6400  }
0x97: {  	[sflag:s23] =	ssyncset.done $0x0  }
0x98: {  	s11 =	simm.s32 $0x0;
	[sflag:s23] =	ssyncadd.s32 $0xFFFF9C00  }
0x99: {  	v0 =	vld [tilespmem:s11+$0x7D70]  }
0x9a: {  	v1 =	vld [tilespmem:s11+$0x7DF0]  }
0x9b: {  	v2 =	vld [tilespmem:s11+$0x7E70]  }
0x9c: {  	v3 =	vld [tilespmem:s11+$0x7EF0]  }
0x9d: {  	v4 =	vld [tilespmem:s11+$0x7D00]  }
0x9e: {  	v5 =	vld [tilespmem:s11+$0x7D80]  }
0x9f: {  	v6 =	vld [tilespmem:s11+$0x7E00]  }
0xa0: {  	v7 =	vld [tilespmem:s11+$0x7E80]  }
0xa1: {  	v8 =	vld [tilespmem:s11+$0x7D10]  }
0xa2: {  	v9 =	vld [tilespmem:s11+$0x7D90]  }
0xa3: {  	v10 =	vld [tilespmem:s11+$0x7E10]  }
0xa4: {  	v11 =	vld [tilespmem:s11+$0x7E90]  }
0xa5: {  	v12 =	vld [tilespmem:s11+$0x7D20]  }
0xa6: {  	v13 =	vld [tilespmem:s11+$0x7DA0]  }
0xa7: {  	v14 =	vld [tilespmem:s11+$0x7E20]  }
0xa8: {  	v15 =	vld [tilespmem:s11+$0x7EA0]  }
0xa9: {  	v59 =	vld [tilespmem:s11+$0x7D30]  }
0xaa: {  	v60 =	vld [tilespmem:s11+$0x7DB0]  }
0xab: {  	v61 =	vld [tilespmem:s11+$0x7E30]  }
0xac: {  	v62 =	vld [tilespmem:s11+$0x7EB0]  }
0xad: {  	v0 =	vadd.f32 v1, v0;
	v1 =	vadd.f32 v3, v2;
	v2 =	vld [tilespmem:s11+$0x7D40]  }
0xae: {  	v3 =	vadd.f32 v5, v4;
	v4 =	vadd.f32 v7, v6;
	v5 =	vld [tilespmem:s11+$0x7DC0]  }
0xaf: {  	v7 =	vld [tilespmem:s11+$0x7E40]  }
0xb0: {  	v0 =	vadd.f32 v1, v0;
	v1 =	vadd.f32 v4, v3;
	v3 =	vld [tilespmem:s11+$0x7EC0]  }
0xb1: {  	v4 =	vadd.f32 v9, v8;
	v8 =	vadd.f32 v11, v10;
	v10 =	vld [tilespmem:s11+$0x7D50]  }
0xb2: {  	v9 =	vadd.f32 v13, v12;
	v11 =	vadd.f32 v15, v14;
	v13 =	vld [tilespmem:s11+$0x7DD0]  }
0xb3: {  	v14 =	vld [tilespmem:s11+$0x7E50];
	v12 =	vadd.f32 v60, v59;
	v15 =	vadd.f32 v62, v61  }
0xb4: {  	v6 =	vimm.f32 $0.0e+00;
	v4 =	vadd.f32 v8, v4;
	v8 =	vadd.f32 v11, v9;
	v11 =	vld [tilespmem:s11+$0x7ED0]  }
0xb5: {  	v63 =	vld [tilespmem:s11+$0x7D60];
	v0 =	vadd.f32 v0, v6;
	v1 =	vadd.f32 v1, v6  }
0xb6: {  	v2 =	vadd.f32 v5, v2;
	v5 =	vadd.f32 v3, v7;
	v7 =	vld [tilespmem:s11+$0x7DE0]  }
0xb7: {  	v9 =	vld [tilespmem:s11+$0x7E60];
	v15 =	vadd.f32 v15, v12;
	v3 =	vadd.f32 v4, v6  }
0xb8: {  	s0 =	simm.s32 $0x200;
	v12 =	vld [tilespmem:s11+$0x7EE0];
	v4 =	vadd.f32 v8, v6;
	v2 =	vadd.f32 v5, v2  }
0xb9: {  	v13 =	vadd.f32 v13, v10;
	v8 =	vld [tilespmem:s0+$0x7D70];
	v14 =	vadd.f32 v11, v14  }
0xba: {  	v10 =	vld [tilespmem:s0+$0x7DF0];
	v5 =	vadd.f32 v15, v6;
	v2 =	vadd.f32 v2, v6  }
0xbb: {  	s9 =	simm.s32 $0x1000;
	v11 =	vld [tilespmem:s0+$0x7E70];
	v14 =	vadd.f32 v14, v13;
	v13 =	vadd.f32 v7, v63;
	v7 =	vimm.f32 $0.0e+00  }
.LBB2_5:
0xbc: {  	p1 =	sne.s32 s9, $0x18800;
	v15 =	vld [tilespmem:s0+$0x7EF0]  }
0xbd: {  	v16 =	vld [tilespmem:s0+$0x7D00];
	v6 =	vadd.f32 v14, v6;
	v9 =	vadd.f32 v12, v9  }
0xbe: {  	v12 =	vld [tilespmem:s0+$0x7D80]  }
0xbf: {  	v14 =	vld [tilespmem:s0+$0x7E00];
	v9 =	vadd.f32 v9, v13  }
0xc0: {  	v13 =	vld [tilespmem:s0+$0x7E80]  }
0xc1: {  	v8 =	vadd.f32 v10, v8;
	v17 =	vld [tilespmem:s0+$0x7D10];
	v10 =	vadd.f32 v15, v11  }
0xc2: {  	v7 =	vadd.f32 v9, v7;
	v11 =	vld [tilespmem:s0+$0x7D90]  }
0xc3: {  	v9 =	vadd.f32 v12, v16;
	v12 =	vld [tilespmem:s0+$0x7E10];
	v8 =	vadd.f32 v10, v8  }
0xc4: {  	v10 =	vld [tilespmem:s0+$0x7E90]  }
0xc5: {  	v13 =	vadd.f32 v13, v14;
	v14 =	vld [tilespmem:s0+$0x7D20];
	v0 =	vadd.f32 v8, v0  }
0xc6: {  	v8 =	vld [tilespmem:s0+$0x7DA0]  }
0xc7: {  	v9 =	vadd.f32 v13, v9;
	v11 =	vadd.f32 v11, v17;
	v13 =	vld [tilespmem:s0+$0x7E20]  }
0xc8: {  	v15 =	vld [tilespmem:s0+$0x7EA0]  }
0xc9: {  	v1 =	vadd.f32 v9, v1;
	v9 =	vadd.f32 v10, v12;
	v10 =	vld [tilespmem:s0+$0x7D30]  }
0xca: {  	v12 =	vld [tilespmem:s0+$0x7DB0]  }
0xcb: {  	v9 =	vadd.f32 v9, v11;
	v8 =	vadd.f32 v8, v14;
	v11 =	vld [tilespmem:s0+$0x7E30]  }
0xcc: {  	v14 =	vld [tilespmem:s0+$0x7EB0]  }
0xcd: {  	v3 =	vadd.f32 v9, v3;
	v9 =	vadd.f32 v15, v13;
	v13 =	vld [tilespmem:s0+$0x7D40]  }
0xce: {  	v15 =	vld [tilespmem:s0+$0x7DC0]  }
0xcf: {  	v8 =	vadd.f32 v9, v8;
	v9 =	vadd.f32 v12, v10;
	v10 =	vld [tilespmem:s0+$0x7E40]  }
0xd0: {  	v12 =	vld [tilespmem:s0+$0x7EC0]  }
0xd1: {  	v4 =	vadd.f32 v8, v4;
	v8 =	vadd.f32 v14, v11;
	v11 =	vld [tilespmem:s0+$0x7D50]  }
0xd2: {  	v14 =	vld [tilespmem:s0+$0x7DD0]  }
0xd3: {  	v8 =	vadd.f32 v8, v9;
	v9 =	vadd.f32 v15, v13;
	v13 =	vld [tilespmem:s0+$0x7E50]  }
0xd4: {  	v15 =	vld [tilespmem:s0+$0x7ED0]  }
0xd5: {  	v5 =	vadd.f32 v8, v5;
	v8 =	vadd.f32 v12, v10;
	v16 =	vld [tilespmem:s0+$0x7D60]  }
0xd6: {  	v17 =	vld [tilespmem:s0+$0x7DE0]  }
.Ltmp1:
0xd7: {  	v10 =	vadd.f32 v8, v9;
	v14 =	vadd.f32 v14, v11;
	v9 =	vld [tilespmem:s0+$0x7E60];
	(pc) =	sbr.rel @p1 .LBB2_5-.Ltmp1, $4  }
0xd8: {  	v12 =	vld [tilespmem:s0+$0x7EE0];
	s0 =	sshra.s32 s9, $0x2  }
0xd9: {  	v8 =	vld [tilespmem:s0+$0x7D70];
	v2 =	vadd.f32 v10, v2;
	v13 =	vadd.f32 v15, v13  }
0xda: {  	v10 =	vld [tilespmem:s0+$0x7DF0]  }
0xdb: {  	s9 =	sadd.s32 $0x800, s9;
	v11 =	vld [tilespmem:s0+$0x7E70];
	v14 =	vadd.f32 v13, v14;
	v13 =	vadd.f32 v17, v16  }
0xdc: {  	v15 =	vld [tilespmem:s0+$0x7EF0]  }
0xdd: {  	v16 =	vld [tilespmem:s0+$0x7D00]  }
0xde: {  	v17 =	vld [tilespmem:s0+$0x7D80]  }
0xdf: {  	v18 =	vld [tilespmem:s0+$0x7E00]  }
0xe0: {  	v19 =	vld [tilespmem:s0+$0x7E80]  }
0xe1: {  	v20 =	vld [tilespmem:s0+$0x7D10]  }
0xe2: {  	v21 =	vld [tilespmem:s0+$0x7D90]  }
0xe3: {  	v22 =	vld [tilespmem:s0+$0x7E10]  }
0xe4: {  	v23 =	vld [tilespmem:s0+$0x7E90]  }
0xe5: {  	v24 =	vld [tilespmem:s0+$0x7D20]  }
0xe6: {  	v25 =	vld [tilespmem:s0+$0x7DA0]  }
0xe7: {  	v26 =	vld [tilespmem:s0+$0x7E20]  }
0xe8: {  	v27 =	vld [tilespmem:s0+$0x7EA0]  }
0xe9: {  	v28 =	vld [tilespmem:s0+$0x7D30]  }
0xea: {  	v29 =	vld [tilespmem:s0+$0x7DB0]  }
0xeb: {  	v30 =	vld [tilespmem:s0+$0x7E30]  }
0xec: {  	v31 =	vld [tilespmem:s0+$0x7EB0]  }
0xed: {  	v32 =	vld [tilespmem:s0+$0x7D40]  }
0xee: {  	v33 =	vld [tilespmem:s0+$0x7DC0]  }
0xef: {  	v34 =	vld [tilespmem:s0+$0x7E40];
	v9 =	vadd.f32 v12, v9  }
0xf0: {  	v48 =	vld [tilespmem:s0+$0x7D50];
	v6 =	vadd.f32 v14, v6  }
0xf1: {  	v50 =	vld [tilespmem:s0+$0x7ED0];
	v9 =	vadd.f32 v9, v13;
	v8 =	vadd.f32 v10, v8  }
0xf2: {  	v53 =	vld [tilespmem:s0+$0x7D60];
	v14 =	vadd.f32 v17, v16;
	v47 =	vadd.f32 v19, v18  }
0xf3: {  	v12 =	vld [tilespmem:s0+$0x7EC0];
	v11 =	vadd.f32 v15, v11;
	v15 =	vadd.f32 v21, v20  }
0xf4: {  	v54 =	vld [tilespmem:s0+$0x7E60];
	v49 =	vadd.f32 v23, v22;
	v51 =	vadd.f32 v25, v24  }
0xf5: {  	v52 =	vadd.f32 v27, v26;
	v7 =	vadd.f32 v9, v7;
	v9 =	vld [tilespmem:s0+$0x7DE0]  }
0xf6: {  	v57 =	vld [tilespmem:s0+$0x7EE0];
	v55 =	vadd.f32 v29, v28;
	v13 =	vadd.f32 v47, v14  }
0xf7: {  	v10 =	vld [tilespmem:s0+$0x7DD0];
	v56 =	vadd.f32 v31, v30;
	v58 =	vadd.f32 v33, v32  }
0xf8: {  	v12 =	vadd.f32 v12, v34;
	v14 =	vld [tilespmem:s0+$0x7E50];
	v1 =	vadd.f32 v13, v1  }
0xf9: {  	v13 =	vadd.f32 v49, v15;
	v15 =	vadd.f32 v52, v51  }
0xfa: {  	v12 =	vadd.f32 v12, v58;
	v9 =	vadd.f32 v9, v53  }
0xfb: {  	v3 =	vadd.f32 v13, v3;
	v4 =	vadd.f32 v15, v4  }
0xfc: {  	v13 =	vadd.f32 v56, v55;
	v15 =	vadd.f32 v57, v54  }
0xfd: {  	v10 =	vadd.f32 v10, v48;
	[tilespmem:s31+$0x1A980] =	vst v1;
	v14 =	vadd.f32 v50, v14  }
0xfe: {  	v1 =	vadd.f32 v13, v5;
	[tilespmem:s31+$0x1A990] =	vst v3;
	v3 =	vadd.f32 v15, v9  }
0xff: {  	v2 =	vadd.f32 v12, v2;
	[tilespmem:s31+$0x1A9A0] =	vst v4;
	v4 =	vadd.f32 v11, v8  }
0x100: {  	v5 =	vadd.f32 v14, v10;
	[tilespmem:s31+$0x1A9B0] =	vst v1;
	v1 =	vadd.f32 v3, v7  }
0x101: {  	[tilespmem:s31+$0x1A9C0] =	vst v2;
	v0 =	vadd.f32 v4, v0  }
0x102: {  	v5 =	vadd.f32 v5, v6;
	[tilespmem:s31+$0x1A9E0] =	vst v1  }
0x103: {  	[tilespmem:s31+$0x1A9F0] =	vst v0  }
0x104: {  	s9 =	simm.s32 @!p0 $0x68;
	s11 =	simm.s32 @!p0 $0x7D00;
	s0 =	sadd.s32 @!p0 $0x3E8, s1;
	[tilespmem:s31+$0x1A9D0] =	vst v5  }
0x105: {  	[tilespmem:s11], [sflag:$0x2] =	stream.indirect.gather @!p0 [hbm4b:s2+s9], $0x80, s0, s9, $0xb8;
	[tilespmem:$0x1B900] =	vst v63  }
0x106: {  	s0 =	sadd.s32 @!p0 $0x450, s1;
	s9 =	simm.s32 @!p0 $0x60;
	s11 =	simm.s32 @!p0 $0xB100  }
0x107: {  	[tilespmem:s11], [sflag:$0x2] =	stream.indirect.gather @!p0 [hbm4b:s2+s9], $0x80, s0, s9, $0xb8;
	[tilespmem:$0x1B900] =	vst v63  }
0x108: {  	_ =	swait.ge [sflag:s24], $0x6400  }
0x109: {  	[sflag:s24] =	ssyncset.done $0x0  }
0x10a: {  	s11 =	simm.s32 $0x0;
	[sflag:s24] =	ssyncadd.s32 $0xFFFF9C00  }
0x10b: {  	v0 =	vld [tilespmem:s11+$0xE170]  }
0x10c: {  	v1 =	vld [tilespmem:s11+$0xE1F0]  }
0x10d: {  	v2 =	vld [tilespmem:s11+$0xE270]  }
0x10e: {  	v3 =	vld [tilespmem:s11+$0xE2F0]  }
0x10f: {  	v4 =	vld [tilespmem:s11+$0xE100]  }
0x110: {  	v5 =	vld [tilespmem:s11+$0xE180]  }
0x111: {  	v6 =	vld [tilespmem:s11+$0xE200]  }
0x112: {  	v7 =	vld [tilespmem:s11+$0xE280]  }
0x113: {  	v8 =	vld [tilespmem:s11+$0xE110]  }
0x114: {  	v9 =	vld [tilespmem:s11+$0xE190]  }
0x115: {  	v10 =	vld [tilespmem:s11+$0xE210]  }
0x116: {  	v11 =	vld [tilespmem:s11+$0xE290]  }
0x117: {  	v12 =	vld [tilespmem:s11+$0xE120]  }
0x118: {  	v13 =	vld [tilespmem:s11+$0xE1A0]  }
0x119: {  	v14 =	vld [tilespmem:s11+$0xE220]  }
0x11a: {  	v15 =	vld [tilespmem:s11+$0xE2A0]  }
0x11b: {  	v59 =	vld [tilespmem:s11+$0xE130]  }
0x11c: {  	v60 =	vld [tilespmem:s11+$0xE1B0]  }
0x11d: {  	v61 =	vld [tilespmem:s11+$0xE230]  }
0x11e: {  	v62 =	vld [tilespmem:s11+$0xE2B0]  }
0x11f: {  	v0 =	vadd.f32 v1, v0;
	v1 =	vadd.f32 v3, v2;
	v2 =	vld [tilespmem:s11+$0xE140]  }
0x120: {  	v3 =	vadd.f32 v5, v4;
	v4 =	vadd.f32 v7, v6;
	v5 =	vld [tilespmem:s11+$0xE1C0]  }
0x121: {  	v7 =	vld [tilespmem:s11+$0xE240]  }
0x122: {  	v0 =	vadd.f32 v1, v0;
	v1 =	vadd.f32 v4, v3;
	v3 =	vld [tilespmem:s11+$0xE2C0]  }
0x123: {  	v4 =	vadd.f32 v9, v8;
	v8 =	vadd.f32 v11, v10;
	v10 =	vld [tilespmem:s11+$0xE150]  }
0x124: {  	v9 =	vadd.f32 v13, v12;
	v11 =	vadd.f32 v15, v14;
	v13 =	vld [tilespmem:s11+$0xE1D0]  }
0x125: {  	v14 =	vld [tilespmem:s11+$0xE250];
	v12 =	vadd.f32 v60, v59;
	v15 =	vadd.f32 v62, v61  }
0x126: {  	v6 =	vimm.f32 $0.0e+00;
	v4 =	vadd.f32 v8, v4;
	v8 =	vadd.f32 v11, v9;
	v11 =	vld [tilespmem:s11+$0xE2D0]  }
0x127: {  	v63 =	vld [tilespmem:s11+$0xE160];
	v0 =	vadd.f32 v0, v6;
	v1 =	vadd.f32 v1, v6  }
0x128: {  	v2 =	vadd.f32 v5, v2;
	v5 =	vadd.f32 v3, v7;
	v7 =	vld [tilespmem:s11+$0xE1E0]  }
0x129: {  	v9 =	vld [tilespmem:s11+$0xE260];
	v15 =	vadd.f32 v15, v12;
	v3 =	vadd.f32 v4, v6  }
0x12a: {  	s0 =	simm.s32 $0x200;
	v12 =	vld [tilespmem:s11+$0xE2E0];
	v4 =	vadd.f32 v8, v6;
	v2 =	vadd.f32 v5, v2  }
0x12b: {  	v13 =	vadd.f32 v13, v10;
	v8 =	vld [tilespmem:s0+$0xE170];
	v14 =	vadd.f32 v11, v14  }
0x12c: {  	v10 =	vld [tilespmem:s0+$0xE1F0];
	v5 =	vadd.f32 v15, v6;
	v2 =	vadd.f32 v2, v6  }
0x12d: {  	s9 =	simm.s32 $0x1000;
	v11 =	vld [tilespmem:s0+$0xE270];
	v14 =	vadd.f32 v14, v13;
	v13 =	vadd.f32 v7, v63;
	v7 =	vimm.f32 $0.0e+00  }
.LBB2_7:
0x12e: {  	p1 =	sne.s32 s9, $0x18800;
	v15 =	vld [tilespmem:s0+$0xE2F0]  }
0x12f: {  	v16 =	vld [tilespmem:s0+$0xE100];
	v6 =	vadd.f32 v14, v6;
	v9 =	vadd.f32 v12, v9  }
0x130: {  	v12 =	vld [tilespmem:s0+$0xE180]  }
0x131: {  	v14 =	vld [tilespmem:s0+$0xE200];
	v9 =	vadd.f32 v9, v13  }
0x132: {  	v13 =	vld [tilespmem:s0+$0xE280]  }
0x133: {  	v8 =	vadd.f32 v10, v8;
	v17 =	vld [tilespmem:s0+$0xE110];
	v10 =	vadd.f32 v15, v11  }
0x134: {  	v7 =	vadd.f32 v9, v7;
	v11 =	vld [tilespmem:s0+$0xE190]  }
0x135: {  	v9 =	vadd.f32 v12, v16;
	v12 =	vld [tilespmem:s0+$0xE210];
	v8 =	vadd.f32 v10, v8  }
0x136: {  	v10 =	vld [tilespmem:s0+$0xE290]  }
0x137: {  	v13 =	vadd.f32 v13, v14;
	v14 =	vld [tilespmem:s0+$0xE120];
	v0 =	vadd.f32 v8, v0  }
0x138: {  	v8 =	vld [tilespmem:s0+$0xE1A0]  }
0x139: {  	v9 =	vadd.f32 v13, v9;
	v11 =	vadd.f32 v11, v17;
	v13 =	vld [tilespmem:s0+$0xE220]  }
0x13a: {  	v15 =	vld [tilespmem:s0+$0xE2A0]  }
0x13b: {  	v1 =	vadd.f32 v9, v1;
	v9 =	vadd.f32 v10, v12;
	v10 =	vld [tilespmem:s0+$0xE130]  }
0x13c: {  	v12 =	vld [tilespmem:s0+$0xE1B0]  }
0x13d: {  	v9 =	vadd.f32 v9, v11;
	v8 =	vadd.f32 v8, v14;
	v11 =	vld [tilespmem:s0+$0xE230]  }
0x13e: {  	v14 =	vld [tilespmem:s0+$0xE2B0]  }
0x13f: {  	v3 =	vadd.f32 v9, v3;
	v9 =	vadd.f32 v15, v13;
	v13 =	vld [tilespmem:s0+$0xE140]  }
0x140: {  	v15 =	vld [tilespmem:s0+$0xE1C0]  }
0x141: {  	v8 =	vadd.f32 v9, v8;
	v9 =	vadd.f32 v12, v10;
	v10 =	vld [tilespmem:s0+$0xE240]  }
0x142: {  	v12 =	vld [tilespmem:s0+$0xE2C0]  }
0x143: {  	v4 =	vadd.f32 v8, v4;
	v8 =	vadd.f32 v14, v11;
	v11 =	vld [tilespmem:s0+$0xE150]  }
0x144: {  	v14 =	vld [tilespmem:s0+$0xE1D0]  }
0x145: {  	v8 =	vadd.f32 v8, v9;
	v9 =	vadd.f32 v15, v13;
	v13 =	vld [tilespmem:s0+$0xE250]  }
0x146: {  	v15 =	vld [tilespmem:s0+$0xE2D0]  }
0x147: {  	v5 =	vadd.f32 v8, v5;
	v8 =	vadd.f32 v12, v10;
	v16 =	vld [tilespmem:s0+$0xE160]  }
0x148: {  	v17 =	vld [tilespmem:s0+$0xE1E0]  }
.Ltmp2:
0x149: {  	v10 =	vadd.f32 v8, v9;
	v14 =	vadd.f32 v14, v11;
	v9 =	vld [tilespmem:s0+$0xE260];
	(pc) =	sbr.rel @p1 .LBB2_7-.Ltmp2, $4  }
0x14a: {  	v12 =	vld [tilespmem:s0+$0xE2E0];
	s0 =	sshra.s32 s9, $0x2  }
0x14b: {  	v8 =	vld [tilespmem:s0+$0xE170];
	v2 =	vadd.f32 v10, v2;
	v13 =	vadd.f32 v15, v13  }
0x14c: {  	v10 =	vld [tilespmem:s0+$0xE1F0]  }
0x14d: {  	s9 =	sadd.s32 $0x800, s9;
	v11 =	vld [tilespmem:s0+$0xE270];
	v14 =	vadd.f32 v13, v14;
	v13 =	vadd.f32 v17, v16  }
0x14e: {  	v15 =	vld [tilespmem:s0+$0xE2F0]  }
0x14f: {  	v16 =	vld [tilespmem:s0+$0xE100]  }
0x150: {  	v17 =	vld [tilespmem:s0+$0xE180]  }
0x151: {  	v18 =	vld [tilespmem:s0+$0xE200]  }
0x152: {  	v19 =	vld [tilespmem:s0+$0xE280]  }
0x153: {  	v20 =	vld [tilespmem:s0+$0xE110]  }
0x154: {  	v21 =	vld [tilespmem:s0+$0xE190]  }
0x155: {  	v22 =	vld [tilespmem:s0+$0xE210]  }
0x156: {  	v23 =	vld [tilespmem:s0+$0xE290]  }
0x157: {  	v24 =	vld [tilespmem:s0+$0xE120]  }
0x158: {  	v25 =	vld [tilespmem:s0+$0xE1A0]  }
0x159: {  	v26 =	vld [tilespmem:s0+$0xE220]  }
0x15a: {  	v27 =	vld [tilespmem:s0+$0xE2A0]  }
0x15b: {  	v28 =	vld [tilespmem:s0+$0xE130]  }
0x15c: {  	v29 =	vld [tilespmem:s0+$0xE1B0]  }
0x15d: {  	v30 =	vld [tilespmem:s0+$0xE230]  }
0x15e: {  	v31 =	vld [tilespmem:s0+$0xE2B0]  }
0x15f: {  	v32 =	vld [tilespmem:s0+$0xE140]  }
0x160: {  	v33 =	vld [tilespmem:s0+$0xE1C0]  }
0x161: {  	v34 =	vld [tilespmem:s0+$0xE240];
	v9 =	vadd.f32 v12, v9  }
0x162: {  	v47 =	vld [tilespmem:s0+$0xE150];
	v6 =	vadd.f32 v14, v6  }
0x163: {  	v49 =	vld [tilespmem:s0+$0xE2D0];
	v9 =	vadd.f32 v9, v13;
	v8 =	vadd.f32 v10, v8  }
0x164: {  	v52 =	vld [tilespmem:s0+$0xE160];
	v14 =	vadd.f32 v17, v16;
	v46 =	vadd.f32 v19, v18  }
0x165: {  	v12 =	vld [tilespmem:s0+$0xE2C0];
	v11 =	vadd.f32 v15, v11;
	v15 =	vadd.f32 v21, v20  }
0x166: {  	v53 =	vld [tilespmem:s0+$0xE260];
	v48 =	vadd.f32 v23, v22;
	v50 =	vadd.f32 v25, v24  }
0x167: {  	v51 =	vadd.f32 v27, v26;
	v7 =	vadd.f32 v9, v7;
	v9 =	vld [tilespmem:s0+$0xE1E0]  }
0x168: {  	v56 =	vld [tilespmem:s0+$0xE2E0];
	v54 =	vadd.f32 v29, v28;
	v13 =	vadd.f32 v46, v14  }
0x169: {  	v10 =	vld [tilespmem:s0+$0xE1D0];
	v55 =	vadd.f32 v31, v30;
	v57 =	vadd.f32 v33, v32  }
0x16a: {  	v12 =	vadd.f32 v12, v34;
	v14 =	vld [tilespmem:s0+$0xE250];
	v1 =	vadd.f32 v13, v1  }
0x16b: {  	v13 =	vadd.f32 v48, v15;
	v15 =	vadd.f32 v51, v50  }
0x16c: {  	v12 =	vadd.f32 v12, v57;
	v9 =	vadd.f32 v9, v52  }
0x16d: {  	v3 =	vadd.f32 v13, v3;
	v4 =	vadd.f32 v15, v4  }
0x16e: {  	v13 =	vadd.f32 v55, v54;
	v15 =	vadd.f32 v56, v53  }
0x16f: {  	v10 =	vadd.f32 v10, v47;
	[tilespmem:s31+$0x1AA00] =	vst v1;
	v14 =	vadd.f32 v49, v14  }
0x170: {  	v1 =	vadd.f32 v13, v5;
	[tilespmem:s31+$0x1AA10] =	vst v3;
	v3 =	vadd.f32 v15, v9  }
0x171: {  	v2 =	vadd.f32 v12, v2;
	[tilespmem:s31+$0x1AA20] =	vst v4;
	v4 =	vadd.f32 v11, v8  }
0x172: {  	v5 =	vadd.f32 v14, v10;
	[tilespmem:s31+$0x1AA30] =	vst v1;
	v1 =	vadd.f32 v3, v7  }
0x173: {  	[tilespmem:s31+$0x1AA40] =	vst v2;
	v0 =	vadd.f32 v4, v0  }
0x174: {  	v5 =	vadd.f32 v5, v6;
	[tilespmem:s31+$0x1AA60] =	vst v1  }
0x175: {  	[tilespmem:s31+$0x1AA70] =	vst v0  }
0x176: {  	s9 =	simm.s32 @!p0 $0x68;
	s11 =	simm.s32 @!p0 $0xE100;
	s0 =	sadd.s32 @!p0 $0x4B0, s1;
	[tilespmem:s31+$0x1AA50] =	vst v5  }
0x177: {  	[tilespmem:s11], [sflag:$0x3] =	stream.indirect.gather @!p0 [hbm4b:s2+s9], $0x80, s0, s9, $0xb8;
	[tilespmem:$0x1B900] =	vst v63  }
0x178: {  	s0 =	sadd.s32 @!p0 $0x518, s1;
	s1 =	simm.s32 @!p0 $0x60;
	s9 =	simm.s32 @!p0 $0x11500  }
0x179: {  	[tilespmem:s9], [sflag:$0x3] =	stream.indirect.gather @!p0 [hbm4b:s2+s1], $0x80, s0, s1, $0xb8;
	[tilespmem:$0x1B900] =	vst v63  }
0x17a: {  	_ =	swait.ge [sflag:s25], $0x6400  }
0x17b: {  	[sflag:s25] =	ssyncset.done $0x0  }
0x17c: {  	s31 =	simm.s32 $0x0;
	[sflag:s25] =	ssyncadd.s32 $0xFFFF9C00  }
0x17d: {  	v0 =	vld [tilespmem:s31+$0x14570]  }
0x17e: {  	v1 =	vld [tilespmem:s31+$0x145F0]  }
0x17f: {  	v2 =	vld [tilespmem:s31+$0x14670]  }
0x180: {  	v3 =	vld [tilespmem:s31+$0x146F0]  }
0x181: {  	v4 =	vld [tilespmem:s31+$0x14500]  }
0x182: {  	v5 =	vld [tilespmem:s31+$0x14580]  }
0x183: {  	v6 =	vld [tilespmem:s31+$0x14600]  }
0x184: {  	v7 =	vld [tilespmem:s31+$0x14680]  }
0x185: {  	v8 =	vld [tilespmem:s31+$0x14510]  }
0x186: {  	v9 =	vld [tilespmem:s31+$0x14590]  }
0x187: {  	v10 =	vld [tilespmem:s31+$0x14610]  }
0x188: {  	v11 =	vld [tilespmem:s31+$0x14690]  }
0x189: {  	v12 =	vld [tilespmem:s31+$0x14520]  }
0x18a: {  	v13 =	vld [tilespmem:s31+$0x145A0]  }
0x18b: {  	v14 =	vld [tilespmem:s31+$0x14620]  }
0x18c: {  	v15 =	vld [tilespmem:s31+$0x146A0]  }
0x18d: {  	v58 =	vld [tilespmem:s31+$0x14530]  }
0x18e: {  	v59 =	vld [tilespmem:s31+$0x145B0]  }
0x18f: {  	v60 =	vld [tilespmem:s31+$0x14630]  }
0x190: {  	v61 =	vld [tilespmem:s31+$0x146B0]  }
0x191: {  	v0 =	vadd.f32 v1, v0;
	v1 =	vadd.f32 v3, v2;
	v3 =	vld [tilespmem:s31+$0x14540]  }
0x192: {  	v2 =	vadd.f32 v5, v4;
	v4 =	vadd.f32 v7, v6;
	v5 =	vld [tilespmem:s31+$0x145C0]  }
0x193: {  	v7 =	vld [tilespmem:s31+$0x14640];
	v8 =	vadd.f32 v9, v8;
	v9 =	vadd.f32 v11, v10  }
0x194: {  	v10 =	vld [tilespmem:s31+$0x14550];
	v11 =	vadd.f32 v13, v12;
	v12 =	vadd.f32 v15, v14  }
0x195: {  	v0 =	vadd.f32 v1, v0;
	v1 =	vadd.f32 v4, v2;
	v4 =	vld [tilespmem:s31+$0x146C0]  }
0x196: {  	v13 =	vld [tilespmem:s31+$0x145D0]  }
0x197: {  	v6 =	vimm.f32 $0.0e+00;
	v8 =	vadd.f32 v9, v8;
	v9 =	vadd.f32 v12, v11;
	v11 =	vld [tilespmem:s31+$0x146D0]  }
0x198: {  	v14 =	vadd.f32 v61, v60;
	v2 =	vadd.f32 v1, v6;
	v1 =	vld [tilespmem:s31+$0x14650]  }
0x199: {  	v62 =	vld [tilespmem:s31+$0x145E0];
	v12 =	vadd.f32 v59, v58;
	v0 =	vadd.f32 v0, v6  }
0x19a: {  	v15 =	vld [tilespmem:s31+$0x14560];
	v3 =	vadd.f32 v5, v3;
	v7 =	vadd.f32 v4, v7  }
0x19b: {  	v14 =	vadd.f32 v14, v12;
	v12 =	vld [tilespmem:s31+$0x146E0];
	v5 =	vadd.f32 v9, v6  }
0x19c: {  	s0 =	simm.s32 $0x200;
	v9 =	vld [tilespmem:s31+$0x14660];
	v13 =	vadd.f32 v13, v10;
	v7 =	vadd.f32 v7, v3  }
0x19d: {  	v10 =	vld [tilespmem:s0+$0x145F0];
	v4 =	vadd.f32 v8, v6;
	v63 =	vadd.f32 v11, v1  }
0x19e: {  	v8 =	vld [tilespmem:s0+$0x14570];
	v3 =	vadd.f32 v14, v6;
	v1 =	vadd.f32 v7, v6  }
0x19f: {  	s1 =	simm.s32 $0x1000;
	v11 =	vld [tilespmem:s0+$0x14670];
	v14 =	vadd.f32 v63, v13;
	v13 =	vadd.f32 v62, v15;
	v7 =	vimm.f32 $0.0e+00  }
.LBB2_9:
0x1a0: {  	p0 =	sne.s32 s1, $0x18800;
	v15 =	vld [tilespmem:s0+$0x146F0]  }
0x1a1: {  	v16 =	vld [tilespmem:s0+$0x14500];
	v6 =	vadd.f32 v14, v6;
	v9 =	vadd.f32 v12, v9  }
0x1a2: {  	v12 =	vld [tilespmem:s0+$0x14580]  }
0x1a3: {  	v14 =	vld [tilespmem:s0+$0x14600];
	v9 =	vadd.f32 v9, v13  }
0x1a4: {  	v13 =	vld [tilespmem:s0+$0x14680]  }
0x1a5: {  	v8 =	vadd.f32 v10, v8;
	v17 =	vld [tilespmem:s0+$0x14510];
	v10 =	vadd.f32 v15, v11  }
0x1a6: {  	v7 =	vadd.f32 v9, v7;
	v11 =	vld [tilespmem:s0+$0x14590]  }
0x1a7: {  	v9 =	vadd.f32 v12, v16;
	v12 =	vld [tilespmem:s0+$0x14610];
	v8 =	vadd.f32 v10, v8  }
0x1a8: {  	v10 =	vld [tilespmem:s0+$0x14690]  }
0x1a9: {  	v13 =	vadd.f32 v13, v14;
	v14 =	vld [tilespmem:s0+$0x14520];
	v0 =	vadd.f32 v8, v0  }
0x1aa: {  	v8 =	vld [tilespmem:s0+$0x145A0]  }
0x1ab: {  	v9 =	vadd.f32 v13, v9;
	v11 =	vadd.f32 v11, v17;
	v13 =	vld [tilespmem:s0+$0x14620]  }
0x1ac: {  	v15 =	vld [tilespmem:s0+$0x146A0]  }
0x1ad: {  	v2 =	vadd.f32 v9, v2;
	v9 =	vadd.f32 v10, v12;
	v10 =	vld [tilespmem:s0+$0x14530]  }
0x1ae: {  	v12 =	vld [tilespmem:s0+$0x145B0]  }
0x1af: {  	v9 =	vadd.f32 v9, v11;
	v8 =	vadd.f32 v8, v14;
	v11 =	vld [tilespmem:s0+$0x14630]  }
0x1b0: {  	v14 =	vld [tilespmem:s0+$0x146B0]  }
0x1b1: {  	v4 =	vadd.f32 v9, v4;
	v9 =	vadd.f32 v15, v13;
	v13 =	vld [tilespmem:s0+$0x14540]  }
0x1b2: {  	v15 =	vld [tilespmem:s0+$0x145C0]  }
0x1b3: {  	v8 =	vadd.f32 v9, v8;
	v9 =	vadd.f32 v12, v10;
	v10 =	vld [tilespmem:s0+$0x14640]  }
0x1b4: {  	v12 =	vld [tilespmem:s0+$0x146C0]  }
0x1b5: {  	v5 =	vadd.f32 v8, v5;
	v8 =	vadd.f32 v14, v11;
	v11 =	vld [tilespmem:s0+$0x14550]  }
0x1b6: {  	v14 =	vld [tilespmem:s0+$0x145D0]  }
0x1b7: {  	v8 =	vadd.f32 v8, v9;
	v9 =	vadd.f32 v15, v13;
	v13 =	vld [tilespmem:s0+$0x14650]  }
0x1b8: {  	v15 =	vld [tilespmem:s0+$0x146D0]  }
0x1b9: {  	v3 =	vadd.f32 v8, v3;
	v8 =	vadd.f32 v12, v10;
	v16 =	vld [tilespmem:s0+$0x14560]  }
0x1ba: {  	v17 =	vld [tilespmem:s0+$0x145E0]  }
.Ltmp3:
0x1bb: {  	v10 =	vadd.f32 v8, v9;
	v14 =	vadd.f32 v14, v11;
	v9 =	vld [tilespmem:s0+$0x14660];
	(pc) =	sbr.rel @p0 .LBB2_9-.Ltmp3, $4  }
0x1bc: {  	v12 =	vld [tilespmem:s0+$0x146E0];
	s0 =	sshra.s32 s1, $0x2  }
0x1bd: {  	v8 =	vld [tilespmem:s0+$0x14570];
	v1 =	vadd.f32 v10, v1;
	v13 =	vadd.f32 v15, v13  }
0x1be: {  	v10 =	vld [tilespmem:s0+$0x145F0]  }
0x1bf: {  	s1 =	sadd.s32 $0x800, s1;
	v11 =	vld [tilespmem:s0+$0x14670];
	v14 =	vadd.f32 v13, v14;
	v13 =	vadd.f32 v17, v16  }
0x1c0: {  	v15 =	vld [tilespmem:s0+$0x146F0]  }
0x1c1: {  	v16 =	vld [tilespmem:s0+$0x14500]  }
0x1c2: {  	v17 =	vld [tilespmem:s0+$0x14580]  }
0x1c3: {  	v18 =	vld [tilespmem:s0+$0x14600]  }
0x1c4: {  	v19 =	vld [tilespmem:s0+$0x14680]  }
0x1c5: {  	v20 =	vld [tilespmem:s0+$0x14510]  }
0x1c6: {  	v21 =	vld [tilespmem:s0+$0x14590]  }
0x1c7: {  	v22 =	vld [tilespmem:s0+$0x14610]  }
0x1c8: {  	v23 =	vld [tilespmem:s0+$0x14690]  }
0x1c9: {  	v24 =	vld [tilespmem:s0+$0x14520]  }
0x1ca: {  	v25 =	vld [tilespmem:s0+$0x145A0]  }
0x1cb: {  	v26 =	vld [tilespmem:s0+$0x14620]  }
0x1cc: {  	v27 =	vld [tilespmem:s0+$0x146A0]  }
0x1cd: {  	v28 =	vld [tilespmem:s0+$0x14530]  }
0x1ce: {  	v29 =	vld [tilespmem:s0+$0x145B0]  }
0x1cf: {  	v30 =	vld [tilespmem:s0+$0x14630]  }
0x1d0: {  	v31 =	vld [tilespmem:s0+$0x146B0]  }
0x1d1: {  	v32 =	vld [tilespmem:s0+$0x14540]  }
0x1d2: {  	v33 =	vld [tilespmem:s0+$0x145C0]  }
0x1d3: {  	v34 =	vld [tilespmem:s0+$0x14640]  }
0x1d4: {  	v36 =	vld [tilespmem:s0+$0x146C0]  }
0x1d5: {  	v39 =	vld [tilespmem:s0+$0x14550]  }
0x1d6: {  	v40 =	vld [tilespmem:s0+$0x145D0];
	v9 =	vadd.f32 v12, v9  }
0x1d7: {  	v42 =	vld [tilespmem:s0+$0x14650];
	v6 =	vadd.f32 v14, v6  }
0x1d8: {  	v45 =	vld [tilespmem:s0+$0x146D0];
	v9 =	vadd.f32 v9, v13;
	v8 =	vadd.f32 v10, v8  }
0x1d9: {  	v48 =	vld [tilespmem:s0+$0x14560];
	v37 =	vadd.f32 v17, v16;
	v38 =	vadd.f32 v19, v18  }
0x1da: {  	v49 =	vld [tilespmem:s0+$0x145E0];
	v11 =	vadd.f32 v15, v11;
	v43 =	vadd.f32 v21, v20  }
0x1db: {  	v52 =	vld [tilespmem:s0+$0x14660];
	v44 =	vadd.f32 v23, v22;
	v46 =	vadd.f32 v25, v24  }
0x1dc: {  	v55 =	vld [tilespmem:s0+$0x146E0];
	v47 =	vadd.f32 v27, v26;
	v7 =	vadd.f32 v9, v7  }
0x1dd: {  	v53 =	vadd.f32 v29, v28;
	v54 =	vadd.f32 v31, v30  }
0x1de: {  	v56 =	vadd.f32 v33, v32;
	v12 =	vadd.f32 v36, v34  }
0x1df: {  	v10 =	vadd.f32 v40, v39;
	v14 =	vadd.f32 v45, v42  }
0x1e0: {  	v9 =	vadd.f32 v49, v48;
	v41 =	vadd.f32 v38, v37  }
0x1e1: {  	v58 =	vadd.f32 v55, v52;
	v50 =	vadd.f32 v44, v43  }
0x1e2: {  	s31 =	sshll.u32 s30, $0x7;
	v51 =	vadd.f32 v47, v46;
	v2 =	vadd.f32 v41, v2  }
0x1e3: {  	s0 =	sand.u32 $0x3FFFFF80, s31;
	v57 =	vadd.f32 v54, v53;
	v4 =	vadd.f32 v50, v4  }
0x1e4: {  	v12 =	vadd.f32 v12, v56;
	v5 =	vadd.f32 v51, v5;
	[tilespmem:s0+$0x1A900] =	vst v2  }
0x1e5: {  	s29 =	sadd.s32 $0x1, s29;
	v60 =	vadd.f32 v14, v10;
	v59 =	vadd.f32 v57, v3;
	[tilespmem:s0+$0x1A910] =	vst v4  }
0x1e6: {  	p0 =	sne.s32 s29, $0x8;
	v61 =	vadd.f32 v58, v9;
	v1 =	vadd.f32 v12, v1;
	[tilespmem:s0+$0x1A920] =	vst v5  }
.Ltmp4:
0x1e7: {  	v62 =	vadd.f32 v11, v8;
	v3 =	vadd.f32 v60, v6;
	[tilespmem:s0+$0x1A930] =	vst v59;
	(pc) =	sbr.rel @p0 .LBB2_2-.Ltmp4, $4  }
0x1e8: {  	v63 =	vadd.f32 v61, v7;
	[tilespmem:s0+$0x1A940] =	vst v1  }
0x1e9: {  	v0 =	vadd.f32 v62, v0;
	[tilespmem:s0+$0x1A950] =	vst v3  }
0x1ea: {  	[tilespmem:s0+$0x1A960] =	vst v63  }
0x1eb: {  	[tilespmem:s0+$0x1A970] =	vst v0  }
0x1ec: {  	s28 =	sadd.s32 $0x1, s28  }
0x1ed: {  	p0 =	sne.s32 s28, s6  }
.Ltmp5:
0x1ee: {  	_ = 	snop;
	(pc) =	sbr.rel @p0 .LBB2_1-.Ltmp5, $4  }
0x1ef: {  	[hbm4b:s5+s3] =	stream.linear.scatter [tilespmem:s26], [sflag:$0x5], $0x1000, $0x38;
	[tilespmem:$0x1B900] =	vst v63  }
0x1f0: {  	_ =	swait.ge [sflag:s7], $0x1000  }
0x1f1: {  	[sflag:s7] =	ssyncset.done $0x0  }
0x1f2: {  	[sflag:s7] =	ssyncadd.s32 $0xFFFFF000  }
0x1f3: {  	_ =	sfence.sel $0x180000  }
0x1f4: {  	[bflag:$0x0] =	sbarrier.arrive $0xFFFF  }
0x1f5: {  	_ =	strace $0x90000047  }
0x1f6: {  	s0 =	stileid.u32;
	[bflag:$0x2] =	sbarrier.arrive $0xFFFF  }
0x1f7: {  	p0 =	sne.s32 s0, $0x0;
	s0 =	rddreg [dreg:$0x2]  }
0x1f8: {  	s0 =	sadd.s32 @!p0 $0x100000, s0  }
0x1f9: {  	[sflag:s0] =	ssyncadd.tile.s32 @!p0 $0x1;
	_ =	shalt  }
.Lfunc_end2:
_tile_overlayer_lowered:
.L_overlay_start_2:
0x1fa: {  	(tag) =	ssettag $0x2  }
0x1fb: {  	s0 =	rddreg [dreg:$0x0];
	s2 =	stileid.u32  }
0x1fc: {  	s1 =	rddreg [dreg:$0x1];
	p0 =	sne.s32 s2, $0x0  }
0x1fd: {  	s3 =	rddreg [dreg:$0x2];
	[bflag:$0x3] =	sbarrier.arrive $0xFFFF;
	s2 =	simm.s32 @!p0 $0x1C05  }
0x1fe: {  	[timem:s3], [sflag:s2] =	dma.local @!p0 [hbm:s0], s1  }
0x1ff: {  	s0 =	simm.s32 @!p0 $0x5  }
0x200: {  	_ =	swait.ge @!p0 [sflag:s0], s1  }
0x201: {  	s1 =	ssub.s32 @!p0 $0x0, s1;
	[sflag:s0] =	ssyncset.done @!p0 $0x0  }
0x202: {  	[sflag:s0] =	ssyncadd.s32 @!p0 s1  }
0x203: {  	[bflag:$0x3] =	sbarrier.arrive $0xFFFF  }
0x204: {  	_ =	shalt  }

</sc_bundles>
